<compile_context>
chip_gen: v7x
topology: tpu7x:2x2x1
jax: 0.10.2.dev20260603
libtpu: 0.0.44.dev20260713+nightly
codegen_flags: <defaults>
</compile_context>

<pallas_src>
import functools

import jax
import jax.numpy as jnp
import numpy as np
from jax import lax
from jax.experimental import pallas as pl
from jax.experimental.pallas import tpu as pltpu
from jax.experimental.pallas import tpu_sc as plsc

N, K, A, D, P = 1024, 32, 4, 256, 64
J = 8
TW = 128
PW = 96
BN = 64
E = BN * K


def _np_consts():
    G = np.zeros((12, 36), np.float32)
    H = np.zeros((9, 36), np.float32)
    Fm = np.zeros((36, 12), np.float32)
    for i in range(3):
        for a_ in range(4):
            for j in range(3):
                G[a_ * 3 + i, i * 12 + a_ * 3 + j] = 1.0
                Fm[i * 12 + a_ * 3 + j, a_ * 3 + j] = 1.0
        for j in range(3):
            for a_ in range(4):
                H[i * 3 + j, i * 12 + a_ * 3 + j] = 1.0
    A48 = np.zeros((12, 48), np.float32)
    B48 = np.zeros((12, 48), np.float32)
    for a_ in range(4):
        for b_ in range(4):
            for c in range(3):
                A48[a_ * 3 + c, a_ * 12 + b_ * 3 + c] = 1.0
                B48[b_ * 3 + c, a_ * 12 + b_ * 3 + c] = 1.0
    S48 = np.zeros((48, 48), np.float32)
    for u in range(48):
        for v in range(48):
            if u // 3 == v // 3:
                S48[u, v] = 1.0
    S12 = S48[:12, :12].copy()
    RepA = np.zeros((8, 64), np.float32)
    TileB = np.zeros((8, 64), np.float32)
    for a_ in range(8):
        for b_ in range(8):
            RepA[a_, a_ * 8 + b_] = 1.0
            TileB[b_, a_ * 8 + b_] = 1.0
    return G, H, Fm, A48, B48, S48, S12, RepA, TileB


_CONSTS = _np_consts()


def _stage1_body(feat, pos12, maskf, ln1s, ln1b, wnode, dsc,
                 table_out, pernode_out):
    x = feat[...]
    m = jnp.mean(x, -1, keepdims=True)
    v = jnp.mean((x - m) ** 2, -1, keepdims=True)
    ln = (x - m) * lax.rsqrt(v + 1e-5) * ln1s[...] + ln1b[...]
    proj = jnp.dot(ln, wnode[...], preferred_element_type=jnp.float32)
    ol = jax.nn.gelu(proj[:, 0:8])
    orr = proj[:, 8:16]
    al = proj[:, 16:80]
    ar = proj[:, 80:144]

    p = pos12[...]
    nn = p[:, 0:3]
    ca = p[:, 3:6]
    cc = p[:, 6:9]

    def _norm(vv):
        return vv * lax.rsqrt(jnp.sum(vv * vv, -1, keepdims=True) + 1e-8)

    e1 = _norm(cc - ca)
    u = nn - ca
    e2 = _norm(u - jnp.sum(u * e1, -1, keepdims=True) * e1)
    e3 = jnp.concatenate([
        e1[:, 1:2] * e2[:, 2:3] - e1[:, 2:3] * e2[:, 1:2],
        e1[:, 2:3] * e2[:, 0:1] - e1[:, 0:1] * e2[:, 2:3],
        e1[:, 0:1] * e2[:, 1:2] - e1[:, 1:2] * e2[:, 0:1],
    ], -1)
    r9 = jnp.concatenate([
        e1[:, 0:1], e2[:, 0:1], e3[:, 0:1],
        e1[:, 1:2], e2[:, 1:2], e3[:, 1:2],
        e1[:, 2:3], e2[:, 2:3], e3[:, 2:3],
    ], -1)

    mk = maskf[...]
    d = dsc[...]
    dscale = jnp.log1p(jnp.exp(d)) * 0.1
    dcol = jnp.broadcast_to(dscale, (N, 1))
    zpad_t = jnp.zeros((N, TW - 85), jnp.float32)
    zpad_p = jnp.zeros((N, PW - 86), jnp.float32)
    table_out[...] = jnp.concatenate([orr, ar, p[:, 0:12], mk, zpad_t], -1)
    pernode_out[...] = jnp.concatenate([ol, al, r9, ca, mk, dcol, zpad_p], -1)


def _stage3_body(pair, gath, pernode, nbr, ln2s, ln2b, ln3s, ln3b,
                 wgh1, wo1, wlr, wgh2, wo2, aw, bw,
                 g_c, h_c, fm_c, a48_c, b48_c, s48_c, s12_c, repa_c, tileb_c,
                 out):
    f32 = jnp.float32

    def mm(a, b):
        return jnp.dot(a, b, preferred_element_type=f32)

    pr = pair[...].reshape(E, P)
    g = gath[...]
    orr_e = g[:, 0:8]
    ar_e = g[:, 8:72]
    pos_e = g[:, 72:84]
    mk_src = g[:, 84:85]

    pn_node = pernode[...]
    per_e = jnp.broadcast_to(pn_node[:, None, :], (BN, K, PW)).reshape(E, PW)
    ol_e = per_e[:, 0:8]
    al_e = per_e[:, 8:72]
    r_e = per_e[:, 72:81]
    t_e = per_e[:, 81:84]
    mk_dst = per_e[:, 84:85]
    dsc_e = per_e[:, 85:86]

    valid = (nbr[...] != -1).astype(f32)
    pmask = mk_dst * mk_src * valid

    def _ln(x, s, b):
        m = jnp.mean(x, -1, keepdims=True)
        v = jnp.mean((x - m) ** 2, -1, keepdims=True)
        return (x - m) * lax.rsqrt(v + 1e-5) * s + b

    pn = _ln(pr, ln2s[...], ln2b[...])
    outer = mm(ol_e, repa_c[...]) * mm(orr_e, tileb_c[...])
    additive = al_e + ar_e
    w1 = wgh1[...]
    gh1 = mm(pn, w1[0:64]) + mm(outer, w1[64:128]) + mm(additive, w1[128:192])
    hidden1 = jax.nn.gelu(gh1[:, 0:128]) * gh1[:, 128:256]
    pair2 = pr + mm(hidden1, wo1[...])

    pn2 = _ln(pair2, ln3s[...], ln3b[...])
    t12 = jnp.concatenate([t_e, t_e, t_e, t_e], -1)
    pm = pos_e - t12
    lp = mm(mm(pm, g_c[...]) * mm(r_e, h_c[...]), fm_c[...])
    dirf = lp * lax.rsqrt(mm(lp * lp, s12_c[...]) + 1e-8)
    wl = wlr[...]
    lr = (mm(pn2, wl[0:64]) + dsc_e * mm(lp, wl[64:76])
          + mm(dirf, wl[76:88]))
    left = lr[:, 0:64]
    right3f = lr[:, 64:128].reshape(BN, K, P)[:, 0:J].reshape(BN * J, P)
    lp3f = lp.reshape(BN, K, 12)[:, 0:J].reshape(BN * J, 12)
    pm3 = pmask.reshape(BN, K)[:, 0:J]

    w2 = wgh2[...]
    wpp = w2[0:64]
    base = mm(left, wpp) + dsc_e * mm(lp, aw[...])
    dscn = jnp.broadcast_to(pn_node[:, 85:86][:, None, :],
                            (BN, J, 1)).reshape(BN * J, 1)
    node_terms = (mm(right3f, wpp) - dscn * mm(lp3f, bw[...]))
    lpB = mm(lp3f, b48_c[...])
    lpA = mm(lp, a48_c[...])
    nt3 = node_terms.reshape(BN, J, 128)
    lpB3 = lpB.reshape(BN, J, 48)

    acc_h = jnp.zeros((E, P), f32)
    cnt = jnp.zeros((E, 1), f32)
    for j in range(J):
        ntj = jnp.broadcast_to(nt3[:, j][:, None, :], (BN, K, 128)).reshape(E, 128)
        lpBj = jnp.broadcast_to(lpB3[:, j][:, None, :], (BN, K, 48)).reshape(E, 48)
        pmj = jnp.broadcast_to(pm3[:, j][:, None, None], (BN, K, 1)).reshape(E, 1)
        rel = lpA - lpBj
        dirs = rel * lax.rsqrt(mm(rel * rel, s48_c[...]) + 1e-8)
        gh2 = base + ntj + mm(dirs, w2[112:160])
        ppm = pmask * pmj
        sel = (ppm > 0).astype(f32)
        acc_h = acc_h + jax.nn.gelu(gh2[:, 0:64]) * gh2[:, 64:128] * sel
        cnt = cnt + ppm
    rec = 1.0 / jnp.maximum(cnt, 1.0)
    out[...] = (pair2 + mm(acc_h, wo2[...]) * rec).reshape(BN, K, P)


def _run_stage1(features, pos12, maskf, ln1s, ln1b, wnode, dsc):
    full2 = lambda w: pl.BlockSpec(w, lambda: (0, 0))
    return pl.pallas_call(
        _stage1_body,
        grid=(),
        in_specs=[
            full2((N, D)), full2((N, 12)), full2((N, 1)),
            full2((1, D)), full2((1, D)), full2((D, 144)), full2((1, 1)),
        ],
        out_specs=[full2((N, TW)), full2((N, PW))],
        out_shape=[
            jax.ShapeDtypeStruct((N, TW), jnp.float32),
            jax.ShapeDtypeStruct((N, PW), jnp.float32),
        ],
    )(features, pos12, maskf, ln1s, ln1b, wnode, dsc)


def _run_sc_gather(table, idx_flat):
    info = plsc.get_sparse_core_info()
    nc, ns = info.num_cores, info.num_subcores
    nw = nc * ns
    b = idx_flat.shape[0]
    b_per_w = b // nw
    bc = 256
    nchunk = b_per_w // bc
    mesh = plsc.VectorSubcoreMesh(core_axis_name="c", subcore_axis_name="s")

    @functools.partial(
        pl.kernel, mesh=mesh,
        out_type=jax.ShapeDtypeStruct((b, TW), jnp.float32),
        scratch_types=[
            pltpu.VMEM((bc,), jnp.int32),
            pltpu.VMEM((bc,), jnp.int32),
            pltpu.VMEM((bc, TW), jnp.float32),
            pltpu.VMEM((bc, TW), jnp.float32),
            pltpu.SemaphoreType.DMA,
            pltpu.SemaphoreType.DMA,
            pltpu.SemaphoreType.DMA,
            pltpu.SemaphoreType.DMA,
            pltpu.SemaphoreType.DMA,
            pltpu.SemaphoreType.DMA,
        ],
    )
    def gather_k(table_hbm, idx_hbm, out_hbm,
                 idx_v0, idx_v1, rows_v0, rows_v1,
                 isem0, isem1, gsem0, gsem1, osem0, osem1):
        wid = lax.axis_index("s") * nc + lax.axis_index("c")
        idx_v = [idx_v0, idx_v1]
        rows_v = [rows_v0, rows_v1]
        isem = [isem0, isem1]
        gsem = [gsem0, gsem1]
        osem = [osem0, osem1]
        h_out = [None, None]
        prev = None
        for c in range(nchunk):
            s = c & 1
            base = wid * b_per_w + c * bc
            if prev is not None:
                pg, ps, pbase = prev
                pg.wait()
                h_out[ps] = pltpu.async_copy(
                    rows_v[ps], out_hbm.at[pl.ds(pbase, bc)], osem[ps])
            if h_out[s] is not None:
                h_out[s].wait()
                h_out[s] = None
            pltpu.async_copy(idx_hbm.at[pl.ds(base, bc)], idx_v[s], isem[s]).wait()
            prev = (pltpu.async_copy(table_hbm.at[idx_v[s]], rows_v[s], gsem[s]),
                    s, base)
        pg, ps, pbase = prev
        pg.wait()
        h_out[ps] = pltpu.async_copy(
            rows_v[ps], out_hbm.at[pl.ds(pbase, bc)], osem[ps])
        for s in range(2):
            if h_out[s] is not None:
                h_out[s].wait()

    return gather_k(table, idx_flat)


def _run_stage3(pair, gathered, pernode, nbr, ln2s, ln2b, ln3s, ln3b,
                wgh1, wo1, wlr, wgh2, wo2, aw, bw, consts):
    n_nodes = pair.shape[0]
    grid = (n_nodes // BN,)
    blk = lambda w: pl.BlockSpec(w, lambda i: (0, 0))
    specs = [
        pl.BlockSpec((BN, K, P), lambda i: (i, 0, 0)),
        pl.BlockSpec((E, TW), lambda i: (i, 0)),
        pl.BlockSpec((BN, PW), lambda i: (i, 0)),
        pl.BlockSpec((E, 1), lambda i: (i, 0)),
        blk((1, P)), blk((1, P)), blk((1, P)), blk((1, P)),
        blk((192, 256)), blk((128, P)), blk((88, 128)), blk((160, 128)), blk((P, P)),
        blk((12, 128)), blk((12, 128)),
        blk((12, 36)), blk((9, 36)), blk((36, 12)),
        blk((12, 48)), blk((12, 48)), blk((48, 48)), blk((12, 12)),
        blk((8, 64)), blk((8, 64)),
    ]
    return pl.pallas_call(
        _stage3_body,
        grid=grid,
        in_specs=specs,
        out_specs=pl.BlockSpec((BN, K, P), lambda i: (i, 0, 0)),
        out_shape=jax.ShapeDtypeStruct((n_nodes, K, P), jnp.float32),
    )(pair, gathered, pernode, nbr.reshape(n_nodes * K, 1), ln2s, ln2b, ln3s, ln3b,
      wgh1, wo1, wlr, wgh2, wo2, aw, bw, *consts)


def kernel(features, pair, pos, neighbours, resi, chain, batch, mask,
           ln1_s, ln1_b, ln2_s, ln2_b, ln3_s, ln3_b,
           W_ol, W_or, W_al, W_ar, W_g1, W_h1, W_o1,
           W_l, W_r, W_g2, W_h2, W_o2, d_scale):
    f32 = jnp.float32
    maskf = mask.astype(f32).reshape(N, 1)
    pos12 = pos.astype(f32).reshape(N, 12)
    nbr = neighbours.astype(jnp.int32)
    dsc = jnp.asarray(d_scale, f32).reshape(1, 1)
    consts = tuple(jnp.asarray(c) for c in _CONSTS)
    a48, b48 = consts[3], consts[4]
    wnode = jnp.concatenate([W_ol, W_or, W_al, W_ar], axis=1)
    wgh1 = jnp.concatenate([W_g1, W_h1], axis=1)
    wlr = jnp.concatenate([W_l, W_r], axis=1)
    wgh2 = jnp.concatenate([W_g2, W_h2], axis=1)
    aw = jnp.dot(a48, wgh2[64:112])
    bw = jnp.dot(b48, wgh2[64:112])

    table, pernode = _run_stage1(
        features.astype(f32), pos12, maskf,
        ln1_s.reshape(1, D), ln1_b.reshape(1, D), wnode, dsc)

    gathered = _run_sc_gather(table, nbr.reshape(N * K))
    return _run_stage3(
        pair.astype(f32), gathered, pernode, nbr,
        ln2_s.reshape(1, P), ln2_b.reshape(1, P),
        ln3_s.reshape(1, P), ln3_b.reshape(1, P),
        wgh1, W_o1, wlr, wgh2, W_o2, aw, bw, consts)

# --- scband reference (transcript-rebuilt; emitter-appended) ---
"""Pipeline reference for scband-s2-spair-block-4063039062764 (READ-ONLY COPY).

The authoritative reference and input builder live on the scoring server;
editing this copy changes nothing except your own understanding.
"""

import jax, jax.numpy as jnp
import numpy as np

N, K, A, D, P = 1024, 32, 4, 256, 64


def _ln(x, s, b):
    m = x.mean(-1, keepdims=True)
    v = ((x - m) ** 2).mean(-1, keepdims=True)
    return (x - m) / jnp.sqrt(v + 1e-5) * s + b


def _normalize(v):
    return v / jnp.sqrt((v * v).sum(-1, keepdims=True) + 1e-8)


def _frames(pos):
    n, ca, c = pos[:, 0], pos[:, 1], pos[:, 2]
    e1 = _normalize(c - ca)
    u = n - ca
    e2 = _normalize(u - (u * e1).sum(-1, keepdims=True) * e1)
    e3 = jnp.cross(e1, e2)
    return jnp.stack([e1, e2, e3], axis=-1), ca


def setup_inputs(seed: int = 0):
    key = jax.random.key(seed)
    ks = jax.random.split(key, 32)

    def lin(k, fi, fo):
        return jax.random.normal(k, (fi, fo), jnp.float32) / np.sqrt(fi)

    F1 = 2 * P + 64
    F2 = P + 6 * A
    F3 = P + 6 * A * A
    inp = {}
    inp["features"] = jax.random.normal(ks[0], (N, D), jnp.float32)
    inp["pair"] = jax.random.normal(ks[1], (N, K, P), jnp.float32)
    inp["pos"] = jax.random.normal(ks[2], (N, A, 3), jnp.float32) * 3.0
    inp["neighbours"] = jax.random.randint(ks[3], (N, K), 0, N)
    inp["resi"] = jnp.arange(N)
    inp["chain"] = jnp.zeros((N,), jnp.int32)
    inp["batch"] = jnp.zeros((N,), jnp.int32)
    inp["mask"] = jnp.ones((N,), bool)
    inp["ln1_s"] = jnp.ones((D,), jnp.float32); inp["ln1_b"] = jnp.zeros((D,), jnp.float32)
    inp["ln2_s"] = jnp.ones((P,), jnp.float32); inp["ln2_b"] = jnp.zeros((P,), jnp.float32)
    inp["ln3_s"] = jnp.ones((P,), jnp.float32); inp["ln3_b"] = jnp.zeros((P,), jnp.float32)
    inp["W_ol"] = lin(ks[4], D, 8); inp["W_or"] = lin(ks[5], D, 8)
    inp["W_al"] = lin(ks[6], D, P); inp["W_ar"] = lin(ks[7], D, P)
    inp["W_g1"] = lin(ks[8], F1, 2 * P); inp["W_h1"] = lin(ks[9], F1, 2 * P)
    inp["W_o1"] = lin(ks[10], 2 * P, P)
    inp["W_l"] = lin(ks[11], F2, P); inp["W_r"] = lin(ks[12], F2, P)
    inp["W_g2"] = lin(ks[13], F3, P); inp["W_h2"] = lin(ks[14], F3, P)
    inp["W_o2"] = lin(ks[15], P, P)
    inp["d_scale"] = jnp.asarray(np.log(np.e - 1.0), jnp.float32)
    return inp


def reference(features, pair, pos, neighbours, resi, chain, batch, mask, ln1_s, ln1_b, ln2_s, ln2_b, ln3_s, ln3_b, W_ol, W_or, W_al, W_ar, W_g1, W_h1, W_o1, W_l, W_r, W_g2, W_h2, W_o2, d_scale):
    maskf = mask.astype(jnp.float32)
    pair_mask = maskf[:, None] * maskf[neighbours] * (neighbours != -1).astype(jnp.float32)
    local_n = _ln(features, ln1_s, ln1_b)
    # LocalToPair
    pn = _ln(pair, ln2_s, ln2_b)
    ol = jax.nn.gelu(local_n @ W_ol)
    orr = local_n @ W_or
    outer = (ol[:, None, :, None] * orr[neighbours][:, :, None, :]).reshape(N, K, 64)
    additive = (local_n @ W_al)[:, None] + (local_n @ W_ar)[neighbours]
    f1 = jnp.concatenate([pn, outer, additive], axis=-1)
    hidden1 = jax.nn.gelu(f1 @ W_g1) * (f1 @ W_h1)
    pair = pair + hidden1 @ W_o1
    # PairToPair
    pn2 = _ln(pair, ln3_s, ln3_b)
    R, t = _frames(pos)
    local_pos = jnp.einsum('nkai,nij->nkaj', pos[neighbours] - t[:, None, None], R)
    dscale = jax.nn.softplus(d_scale) / 10.0
    pos_f = dscale * local_pos.reshape(N, K, A * 3)
    dir_f = _normalize(local_pos).reshape(N, K, A * 3)
    pf = jnp.concatenate([pn2, pos_f, dir_f], axis=-1)
    left = pf @ W_l
    right = pf @ W_r
    pp = left[:, :, None] + right[:, None, :8]
    rel = local_pos[:, :, None, :, None, :] - local_pos[:, None, :8, None, :, :]
    rel_f = dscale * rel.reshape(N, K, 8, A * A * 3)
    dirs = _normalize(rel).reshape(N, K, 8, A * A * 3)
    ppf = jnp.concatenate([pp, rel_f, dirs], axis=-1)
    hidden2 = jax.nn.gelu(ppf @ W_g2) * (ppf @ W_h2)
    ppm = pair_mask[:, :, None] * pair_mask[:, None, :8]
    out = jnp.where(ppm[..., None] > 0, hidden2 @ W_o2, 0.0)
    update = out.sum(axis=2) / jnp.maximum(ppm[..., None].sum(axis=2), 1.0)
    return pair + update

if __name__ == "__main__":
    import jax
    _d = setup_inputs()
    print(jax.jit(kernel)(*tuple(_d.values())))

</pallas_src>

<mosaic_0001>
#map = affine_map<(d0, d1) -> (0, 0)>
#map1 = affine_map<(d0, d1) -> (0)>
module attributes {stable_mosaic.version = 14 : i64} {
  func.func @gather_k(%arg0: i32, %arg1: i32, %arg2: memref<1024x128xf32, #tpu.memory_space<hbm>>, %arg3: memref<32768xi32, #tpu.memory_space<hbm>>, %arg4: memref<32768x128xf32, #tpu.memory_space<hbm>>, %arg5: memref<256xi32, #tpu.memory_space<vmem>>, %arg6: memref<256xi32, #tpu.memory_space<vmem>>, %arg7: memref<256x128xf32, #tpu.memory_space<vmem>>, %arg8: memref<256x128xf32, #tpu.memory_space<vmem>>, %arg9: memref<!tpu.dma_semaphore, #tpu.memory_space<semaphore_mem>>, %arg10: memref<!tpu.dma_semaphore, #tpu.memory_space<semaphore_mem>>, %arg11: memref<!tpu.dma_semaphore, #tpu.memory_space<semaphore_mem>>, %arg12: memref<!tpu.dma_semaphore, #tpu.memory_space<semaphore_mem>>, %arg13: memref<!tpu.dma_semaphore, #tpu.memory_space<semaphore_mem>>, %arg14: memref<!tpu.dma_semaphore, #tpu.memory_space<semaphore_mem>>) attributes {dimension_semantics = [#tpu.dimension_semantics<core_parallel>, #tpu.dimension_semantics<subcore_parallel>], iteration_bounds = array<i64: 2, 16>, scalar_prefetch = 0 : i64, scratch_operands = 10 : i64, tpu.core_type = #tpu.core_type<sc_vector_subcore>, window_params = [{transform_indices = #map}, {transform_indices = #map1}, {transform_indices = #map}]} {
    %mul3A = arith.constant 2 : i32
    %mul3A_0 = arith.muli %arg1, %mul3A : i32
    %add3A = arith.addi %mul3A_0, %arg0 : i32
    %mul3A_1 = arith.constant 1024 : i32
    %mul3A_2 = arith.muli %add3A, %mul3A_1 : i32
    %add3A_3 = arith.constant 0 : i32
    %add3A_4 = arith.addi %mul3A_2, %add3A_3 : i32
    %dma_start3A = tpu.memref_slice %arg3[%add3A_4] : memref<32768xi32, #tpu.memory_space<hbm>> -> memref<256xi32, #tpu.memory_space<hbm>>
    %dma_start3A_5 = tpu.memref_slice %arg3[%add3A_4] : memref<32768xi32, #tpu.memory_space<hbm>> -> memref<256xi32, #tpu.memory_space<hbm>>
    tpu.enqueue_dma source(%dma_start3A_5 : memref<256xi32, #tpu.memory_space<hbm>>) target(%arg5 : memref<256xi32, #tpu.memory_space<vmem>>) target_semaphore(%arg9 : memref<!tpu.dma_semaphore, #tpu.memory_space<semaphore_mem>>)
    %dma_wait3A = tpu.memref_slice %arg3[%add3A_4] : memref<32768xi32, #tpu.memory_space<hbm>> -> memref<256xi32, #tpu.memory_space<hbm>>
    %dma_wait3A_6 = tpu.memref_slice %arg3[%add3A_4] : memref<32768xi32, #tpu.memory_space<hbm>> -> memref<256xi32, #tpu.memory_space<hbm>>
    tpu.wait_dma2 semaphore(%arg9 : memref<!tpu.dma_semaphore, #tpu.memory_space<semaphore_mem>>) src(%dma_wait3A_6 : memref<256xi32, #tpu.memory_space<hbm>>) dst(%arg5 : memref<256xi32, #tpu.memory_space<vmem>>)
    %dma_start3A_7 = arith.constant 0 : i32
    %dma_start3A_8 = arith.constant 0 : i32
    %dma_start3A_9 = tpu.memref_slice %arg2[%dma_start3A_7, %dma_start3A_8] : memref<1024x128xf32, #tpu.memory_space<hbm>> -> memref<1024x128xf32, #tpu.memory_space<hbm>>
    tpu.enqueue_indirect_dma source(%dma_start3A_9 : memref<1024x128xf32, #tpu.memory_space<hbm>>) target(%arg7 : memref<256x128xf32, #tpu.memory_space<vmem>>) offsets(%arg5 : memref<256xi32, #tpu.memory_space<vmem>>) semaphore(%arg11 : memref<!tpu.dma_semaphore, #tpu.memory_space<semaphore_mem>>)
    %mul3A_10 = arith.constant 1024 : i32
    %mul3A_11 = arith.muli %add3A, %mul3A_10 : i32
    %add3A_12 = arith.constant 256 : i32
    %add3A_13 = arith.addi %mul3A_11, %add3A_12 : i32
    %dma_wait3A_14 = arith.constant 0 : i32
    %dma_wait3A_15 = arith.constant 0 : i32
    %dma_wait3A_16 = tpu.memref_slice %arg2[%dma_wait3A_14, %dma_wait3A_15] : memref<1024x128xf32, #tpu.memory_space<hbm>> -> memref<1024x128xf32, #tpu.memory_space<hbm>>
    tpu.wait_indirect_dma semaphore(%arg11 : memref<!tpu.dma_semaphore, #tpu.memory_space<semaphore_mem>>) src(%dma_wait3A_16 : memref<1024x128xf32, #tpu.memory_space<hbm>>) dst(%arg7 : memref<256x128xf32, #tpu.memory_space<vmem>>)
    %dma_start3A_17 = arith.constant 0 : i32
    %dma_start3A_18 = tpu.memref_slice %arg4[%add3A_4, %dma_start3A_17] : memref<32768x128xf32, #tpu.memory_space<hbm>> -> memref<256x128xf32, #tpu.memory_space<hbm>>
    %dma_start3A_19 = arith.constant 0 : i32
    %dma_start3A_20 = tpu.memref_slice %arg4[%add3A_4, %dma_start3A_19] : memref<32768x128xf32, #tpu.memory_space<hbm>> -> memref<256x128xf32, #tpu.memory_space<hbm>>
    tpu.enqueue_dma source(%arg7 : memref<256x128xf32, #tpu.memory_space<vmem>>) target(%dma_start3A_20 : memref<256x128xf32, #tpu.memory_space<hbm>>) target_semaphore(%arg13 : memref<!tpu.dma_semaphore, #tpu.memory_space<semaphore_mem>>)
    %dma_start3A_21 = tpu.memref_slice %arg3[%add3A_13] : memref<32768xi32, #tpu.memory_space<hbm>> -> memref<256xi32, #tpu.memory_space<hbm>>
    %dma_start3A_22 = tpu.memref_slice %arg3[%add3A_13] : memref<32768xi32, #tpu.memory_space<hbm>> -> memref<256xi32, #tpu.memory_space<hbm>>
    tpu.enqueue_dma source(%dma_start3A_22 : memref<256xi32, #tpu.memory_space<hbm>>) target(%arg6 : memref<256xi32, #tpu.memory_space<vmem>>) target_semaphore(%arg10 : memref<!tpu.dma_semaphore, #tpu.memory_space<semaphore_mem>>)
    %dma_wait3A_23 = tpu.memref_slice %arg3[%add3A_13] : memref<32768xi32, #tpu.memory_space<hbm>> -> memref<256xi32, #tpu.memory_space<hbm>>
    %dma_wait3A_24 = tpu.memref_slice %arg3[%add3A_13] : memref<32768xi32, #tpu.memory_space<hbm>> -> memref<256xi32, #tpu.memory_space<hbm>>
    tpu.wait_dma2 semaphore(%arg10 : memref<!tpu.dma_semaphore, #tpu.memory_space<semaphore_mem>>) src(%dma_wait3A_24 : memref<256xi32, #tpu.memory_space<hbm>>) dst(%arg6 : memref<256xi32, #tpu.memory_space<vmem>>)
    %dma_start3A_25 = arith.constant 0 : i32
    %dma_start3A_26 = arith.constant 0 : i32
    %dma_start3A_27 = tpu.memref_slice %arg2[%dma_start3A_25, %dma_start3A_26] : memref<1024x128xf32, #tpu.memory_space<hbm>> -> memref<1024x128xf32, #tpu.memory_space<hbm>>
    tpu.enqueue_indirect_dma source(%dma_start3A_27 : memref<1024x128xf32, #tpu.memory_space<hbm>>) target(%arg8 : memref<256x128xf32, #tpu.memory_space<vmem>>) offsets(%arg6 : memref<256xi32, #tpu.memory_space<vmem>>) semaphore(%arg12 : memref<!tpu.dma_semaphore, #tpu.memory_space<semaphore_mem>>)
    %mul3A_28 = arith.constant 1024 : i32
    %mul3A_29 = arith.muli %add3A, %mul3A_28 : i32
    %add3A_30 = arith.constant 512 : i32
    %add3A_31 = arith.addi %mul3A_29, %add3A_30 : i32
    %dma_wait3A_32 = arith.constant 0 : i32
    %dma_wait3A_33 = arith.constant 0 : i32
    %dma_wait3A_34 = tpu.memref_slice %arg2[%dma_wait3A_32, %dma_wait3A_33] : memref<1024x128xf32, #tpu.memory_space<hbm>> -> memref<1024x128xf32, #tpu.memory_space<hbm>>
    tpu.wait_indirect_dma semaphore(%arg12 : memref<!tpu.dma_semaphore, #tpu.memory_space<semaphore_mem>>) src(%dma_wait3A_34 : memref<1024x128xf32, #tpu.memory_space<hbm>>) dst(%arg8 : memref<256x128xf32, #tpu.memory_space<vmem>>)
    %dma_start3A_35 = arith.constant 0 : i32
    %dma_start3A_36 = tpu.memref_slice %arg4[%add3A_13, %dma_start3A_35] : memref<32768x128xf32, #tpu.memory_space<hbm>> -> memref<256x128xf32, #tpu.memory_space<hbm>>
    %dma_start3A_37 = arith.constant 0 : i32
    %dma_start3A_38 = tpu.memref_slice %arg4[%add3A_13, %dma_start3A_37] : memref<32768x128xf32, #tpu.memory_space<hbm>> -> memref<256x128xf32, #tpu.memory_space<hbm>>
    tpu.enqueue_dma source(%arg8 : memref<256x128xf32, #tpu.memory_space<vmem>>) target(%dma_start3A_38 : memref<256x128xf32, #tpu.memory_space<hbm>>) target_semaphore(%arg14 : memref<!tpu.dma_semaphore, #tpu.memory_space<semaphore_mem>>)
    %dma_wait3A_39 = arith.constant 0 : i32
    %dma_wait3A_40 = tpu.memref_slice %arg4[%add3A_4, %dma_wait3A_39] : memref<32768x128xf32, #tpu.memory_space<hbm>> -> memref<256x128xf32, #tpu.memory_space<hbm>>
    %dma_wait3A_41 = arith.constant 0 : i32
    %dma_wait3A_42 = tpu.memref_slice %arg4[%add3A_4, %dma_wait3A_41] : memref<32768x128xf32, #tpu.memory_space<hbm>> -> memref<256x128xf32, #tpu.memory_space<hbm>>
    tpu.wait_dma2 semaphore(%arg13 : memref<!tpu.dma_semaphore, #tpu.memory_space<semaphore_mem>>) src(%arg7 : memref<256x128xf32, #tpu.memory_space<vmem>>) dst(%dma_wait3A_42 : memref<256x128xf32, #tpu.memory_space<hbm>>)
    %dma_start3A_43 = tpu.memref_slice %arg3[%add3A_31] : memref<32768xi32, #tpu.memory_space<hbm>> -> memref<256xi32, #tpu.memory_space<hbm>>
    %dma_start3A_44 = tpu.memref_slice %arg3[%add3A_31] : memref<32768xi32, #tpu.memory_space<hbm>> -> memref<256xi32, #tpu.memory_space<hbm>>
    tpu.enqueue_dma source(%dma_start3A_44 : memref<256xi32, #tpu.memory_space<hbm>>) target(%arg5 : memref<256xi32, #tpu.memory_space<vmem>>) target_semaphore(%arg9 : memref<!tpu.dma_semaphore, #tpu.memory_space<semaphore_mem>>)
    %dma_wait3A_45 = tpu.memref_slice %arg3[%add3A_31] : memref<32768xi32, #tpu.memory_space<hbm>> -> memref<256xi32, #tpu.memory_space<hbm>>
    %dma_wait3A_46 = tpu.memref_slice %arg3[%add3A_31] : memref<32768xi32, #tpu.memory_space<hbm>> -> memref<256xi32, #tpu.memory_space<hbm>>
    tpu.wait_dma2 semaphore(%arg9 : memref<!tpu.dma_semaphore, #tpu.memory_space<semaphore_mem>>) src(%dma_wait3A_46 : memref<256xi32, #tpu.memory_space<hbm>>) dst(%arg5 : memref<256xi32, #tpu.memory_space<vmem>>)
    %dma_start3A_47 = arith.constant 0 : i32
    %dma_start3A_48 = arith.constant 0 : i32
    %dma_start3A_49 = tpu.memref_slice %arg2[%dma_start3A_47, %dma_start3A_48] : memref<1024x128xf32, #tpu.memory_space<hbm>> -> memref<1024x128xf32, #tpu.memory_space<hbm>>
    tpu.enqueue_indirect_dma source(%dma_start3A_49 : memref<1024x128xf32, #tpu.memory_space<hbm>>) target(%arg7 : memref<256x128xf32, #tpu.memory_space<vmem>>) offsets(%arg5 : memref<256xi32, #tpu.memory_space<vmem>>) semaphore(%arg11 : memref<!tpu.dma_semaphore, #tpu.memory_space<semaphore_mem>>)
    %mul3A_50 = arith.constant 1024 : i32
    %mul3A_51 = arith.muli %add3A, %mul3A_50 : i32
    %add3A_52 = arith.constant 768 : i32
    %add3A_53 = arith.addi %mul3A_51, %add3A_52 : i32
    %dma_wait3A_54 = arith.constant 0 : i32
    %dma_wait3A_55 = arith.constant 0 : i32
    %dma_wait3A_56 = tpu.memref_slice %arg2[%dma_wait3A_54, %dma_wait3A_55] : memref<1024x128xf32, #tpu.memory_space<hbm>> -> memref<1024x128xf32, #tpu.memory_space<hbm>>
    tpu.wait_indirect_dma semaphore(%arg11 : memref<!tpu.dma_semaphore, #tpu.memory_space<semaphore_mem>>) src(%dma_wait3A_56 : memref<1024x128xf32, #tpu.memory_space<hbm>>) dst(%arg7 : memref<256x128xf32, #tpu.memory_space<vmem>>)
    %dma_start3A_57 = arith.constant 0 : i32
    %dma_start3A_58 = tpu.memref_slice %arg4[%add3A_31, %dma_start3A_57] : memref<32768x128xf32, #tpu.memory_space<hbm>> -> memref<256x128xf32, #tpu.memory_space<hbm>>
    %dma_start3A_59 = arith.constant 0 : i32
    %dma_start3A_60 = tpu.memref_slice %arg4[%add3A_31, %dma_start3A_59] : memref<32768x128xf32, #tpu.memory_space<hbm>> -> memref<256x128xf32, #tpu.memory_space<hbm>>
    tpu.enqueue_dma source(%arg7 : memref<256x128xf32, #tpu.memory_space<vmem>>) target(%dma_start3A_60 : memref<256x128xf32, #tpu.memory_space<hbm>>) target_semaphore(%arg13 : memref<!tpu.dma_semaphore, #tpu.memory_space<semaphore_mem>>)
    %dma_wait3A_61 = arith.constant 0 : i32
    %dma_wait3A_62 = tpu.memref_slice %arg4[%add3A_13, %dma_wait3A_61] : memref<32768x128xf32, #tpu.memory_space<hbm>> -> memref<256x128xf32, #tpu.memory_space<hbm>>
    %dma_wait3A_63 = arith.constant 0 : i32
    %dma_wait3A_64 = tpu.memref_slice %arg4[%add3A_13, %dma_wait3A_63] : memref<32768x128xf32, #tpu.memory_space<hbm>> -> memref<256x128xf32, #tpu.memory_space<hbm>>
    tpu.wait_dma2 semaphore(%arg14 : memref<!tpu.dma_semaphore, #tpu.memory_space<semaphore_mem>>) src(%arg8 : memref<256x128xf32, #tpu.memory_space<vmem>>) dst(%dma_wait3A_64 : memref<256x128xf32, #tpu.memory_space<hbm>>)
    %dma_start3A_65 = tpu.memref_slice %arg3[%add3A_53] : memref<32768xi32, #tpu.memory_space<hbm>> -> memref<256xi32, #tpu.memory_space<hbm>>
    %dma_start3A_66 = tpu.memref_slice %arg3[%add3A_53] : memref<32768xi32, #tpu.memory_space<hbm>> -> memref<256xi32, #tpu.memory_space<hbm>>
    tpu.enqueue_dma source(%dma_start3A_66 : memref<256xi32, #tpu.memory_space<hbm>>) target(%arg6 : memref<256xi32, #tpu.memory_space<vmem>>) target_semaphore(%arg10 : memref<!tpu.dma_semaphore, #tpu.memory_space<semaphore_mem>>)
    %dma_wait3A_67 = tpu.memref_slice %arg3[%add3A_53] : memref<32768xi32, #tpu.memory_space<hbm>> -> memref<256xi32, #tpu.memory_space<hbm>>
    %dma_wait3A_68 = tpu.memref_slice %arg3[%add3A_53] : memref<32768xi32, #tpu.memory_space<hbm>> -> memref<256xi32, #tpu.memory_space<hbm>>
    tpu.wait_dma2 semaphore(%arg10 : memref<!tpu.dma_semaphore, #tpu.memory_space<semaphore_mem>>) src(%dma_wait3A_68 : memref<256xi32, #tpu.memory_space<hbm>>) dst(%arg6 : memref<256xi32, #tpu.memory_space<vmem>>)
    %dma_start3A_69 = arith.constant 0 : i32
    %dma_start3A_70 = arith.constant 0 : i32
    %dma_start3A_71 = tpu.memref_slice %arg2[%dma_start3A_69, %dma_start3A_70] : memref<1024x128xf32, #tpu.memory_space<hbm>> -> memref<1024x128xf32, #tpu.memory_space<hbm>>
    tpu.enqueue_indirect_dma source(%dma_start3A_71 : memref<1024x128xf32, #tpu.memory_space<hbm>>) target(%arg8 : memref<256x128xf32, #tpu.memory_space<vmem>>) offsets(%arg6 : memref<256xi32, #tpu.memory_space<vmem>>) semaphore(%arg12 : memref<!tpu.dma_semaphore, #tpu.memory_space<semaphore_mem>>)
    %dma_wait3A_72 = arith.constant 0 : i32
    %dma_wait3A_73 = arith.constant 0 : i32
    %dma_wait3A_74 = tpu.memref_slice %arg2[%dma_wait3A_72, %dma_wait3A_73] : memref<1024x128xf32, #tpu.memory_space<hbm>> -> memref<1024x128xf32, #tpu.memory_space<hbm>>
    tpu.wait_indirect_dma semaphore(%arg12 : memref<!tpu.dma_semaphore, #tpu.memory_space<semaphore_mem>>) src(%dma_wait3A_74 : memref<1024x128xf32, #tpu.memory_space<hbm>>) dst(%arg8 : memref<256x128xf32, #tpu.memory_space<vmem>>)
    %dma_start3A_75 = arith.constant 0 : i32
    %dma_start3A_76 = tpu.memref_slice %arg4[%add3A_53, %dma_start3A_75] : memref<32768x128xf32, #tpu.memory_space<hbm>> -> memref<256x128xf32, #tpu.memory_space<hbm>>
    %dma_start3A_77 = arith.constant 0 : i32
    %dma_start3A_78 = tpu.memref_slice %arg4[%add3A_53, %dma_start3A_77] : memref<32768x128xf32, #tpu.memory_space<hbm>> -> memref<256x128xf32, #tpu.memory_space<hbm>>
    tpu.enqueue_dma source(%arg8 : memref<256x128xf32, #tpu.memory_space<vmem>>) target(%dma_start3A_78 : memref<256x128xf32, #tpu.memory_space<hbm>>) target_semaphore(%arg14 : memref<!tpu.dma_semaphore, #tpu.memory_space<semaphore_mem>>)
    %dma_wait3A_79 = arith.constant 0 : i32
    %dma_wait3A_80 = tpu.memref_slice %arg4[%add3A_31, %dma_wait3A_79] : memref<32768x128xf32, #tpu.memory_space<hbm>> -> memref<256x128xf32, #tpu.memory_space<hbm>>
    %dma_wait3A_81 = arith.constant 0 : i32
    %dma_wait3A_82 = tpu.memref_slice %arg4[%add3A_31, %dma_wait3A_81] : memref<32768x128xf32, #tpu.memory_space<hbm>> -> memref<256x128xf32, #tpu.memory_space<hbm>>
    tpu.wait_dma2 semaphore(%arg13 : memref<!tpu.dma_semaphore, #tpu.memory_space<semaphore_mem>>) src(%arg7 : memref<256x128xf32, #tpu.memory_space<vmem>>) dst(%dma_wait3A_82 : memref<256x128xf32, #tpu.memory_space<hbm>>)
    %dma_wait3A_83 = arith.constant 0 : i32
    %dma_wait3A_84 = tpu.memref_slice %arg4[%add3A_53, %dma_wait3A_83] : memref<32768x128xf32, #tpu.memory_space<hbm>> -> memref<256x128xf32, #tpu.memory_space<hbm>>
    %dma_wait3A_85 = arith.constant 0 : i32
    %dma_wait3A_86 = tpu.memref_slice %arg4[%add3A_53, %dma_wait3A_85] : memref<32768x128xf32, #tpu.memory_space<hbm>> -> memref<256x128xf32, #tpu.memory_space<hbm>>
    tpu.wait_dma2 semaphore(%arg14 : memref<!tpu.dma_semaphore, #tpu.memory_space<semaphore_mem>>) src(%arg8 : memref<256x128xf32, #tpu.memory_space<vmem>>) dst(%dma_wait3A_86 : memref<256x128xf32, #tpu.memory_space<hbm>>)
    return
  }
}

module attributes {stable_mosaic.version = 14 : i64} {
  func.func @_stage1_body(%arg0: memref<1024x256xf32, #tpu.memory_space<vmem>>, %arg1: memref<1024x12xf32, #tpu.memory_space<vmem>>, %arg2: memref<1024x1xf32, #tpu.memory_space<vmem>>, %arg3: memref<1x256xf32, #tpu.memory_space<vmem>>, %arg4: memref<1x256xf32, #tpu.memory_space<vmem>>, %arg5: memref<256x144xf32, #tpu.memory_space<vmem>>, %arg6: memref<1x1xf32, #tpu.memory_space<vmem>>, %arg7: memref<1024x128xf32, #tpu.memory_space<vmem>>, %arg8: memref<1024x96xf32, #tpu.memory_space<vmem>>) attributes {dimension_semantics = [], scalar_prefetch = 0 : i64, scratch_operands = 0 : i64, tpu.core_type = #tpu.core_type<tc>} {
    %get3A = arith.constant 0 : index
    %get3A_0 = arith.constant 0 : index
    %get3A_1 = vector.load %arg0[%get3A, %get3A_0] : memref<1024x256xf32, #tpu.memory_space<vmem>>, vector<1024x256xf32>
    %reduce_sum3A = arith.constant dense<0.000000e+00> : vector<1024xf32>
    %reduce_sum3A_2 = vector.multi_reduction <add>, %get3A_1, %reduce_sum3A [1] : vector<1024x256xf32> to vector<1024xf32>
    %broadcast_in_dim3A = vector.shape_cast %reduce_sum3A_2 : vector<1024xf32> to vector<1024x1xf32>
    %div3A = arith.constant 2.560000e+02 : f32
    %div3A_3 = vector.broadcast %div3A : f32 to vector<1024x1xf32>
    %div3A_4 = arith.divf %broadcast_in_dim3A, %div3A_3 : vector<1024x1xf32>
    %sub3A = vector.broadcast %div3A_4 : vector<1024x1xf32> to vector<1024x256xf32>
    %sub3A_5 = arith.subf %get3A_1, %sub3A : vector<1024x256xf32>
    %integer_pow3A = arith.mulf %sub3A_5, %sub3A_5 : vector<1024x256xf32>
    %reduce_sum3A_6 = arith.constant dense<0.000000e+00> : vector<1024xf32>
    %reduce_sum3A_7 = vector.multi_reduction <add>, %integer_pow3A, %reduce_sum3A_6 [1] : vector<1024x256xf32> to vector<1024xf32>
    %broadcast_in_dim3A_8 = vector.shape_cast %reduce_sum3A_7 : vector<1024xf32> to vector<1024x1xf32>
    %div3A_9 = arith.constant 2.560000e+02 : f32
    %div3A_10 = vector.broadcast %div3A_9 : f32 to vector<1024x1xf32>
    %div3A_11 = arith.divf %broadcast_in_dim3A_8, %div3A_10 : vector<1024x1xf32>
    %sub3A_12 = vector.broadcast %div3A_4 : vector<1024x1xf32> to vector<1024x256xf32>
    %sub3A_13 = arith.subf %get3A_1, %sub3A_12 : vector<1024x256xf32>
    %add3A = arith.constant 9.99999974E-6 : f32
    %add3A_14 = vector.broadcast %add3A : f32 to vector<1024x1xf32>
    %add3A_15 = arith.addf %div3A_11, %add3A_14 : vector<1024x1xf32>
    %rsqrt3A = math.rsqrt %add3A_15 : vector<1024x1xf32>
    %mul3A = vector.broadcast %rsqrt3A : vector<1024x1xf32> to vector<1024x256xf32>
    %mul3A_16 = arith.mulf %sub3A_13, %mul3A : vector<1024x256xf32>
    %get3A_17 = arith.constant 0 : index
    %get3A_18 = arith.constant 0 : index
    %get3A_19 = vector.load %arg3[%get3A_17, %get3A_18] : memref<1x256xf32, #tpu.memory_space<vmem>>, vector<1x256xf32>
    %mul3A_20 = vector.broadcast %get3A_19 : vector<1x256xf32> to vector<1024x256xf32>
    %mul3A_21 = arith.mulf %mul3A_16, %mul3A_20 : vector<1024x256xf32>
    %get3A_22 = arith.constant 0 : index
    %get3A_23 = arith.constant 0 : index
    %get3A_24 = vector.load %arg4[%get3A_22, %get3A_23] : memref<1x256xf32, #tpu.memory_space<vmem>>, vector<1x256xf32>
    %add3A_25 = vector.broadcast %get3A_24 : vector<1x256xf32> to vector<1024x256xf32>
    %add3A_26 = arith.addf %mul3A_21, %add3A_25 : vector<1024x256xf32>
    %get3A_27 = arith.constant 0 : index
    %get3A_28 = arith.constant 0 : index
    %get3A_29 = vector.load %arg5[%get3A_27, %get3A_28] : memref<256x144xf32, #tpu.memory_space<vmem>>, vector<256x144xf32>
    %dot_general3A = arith.constant dense<0.000000e+00> : vector<1024x144xf32>
    %dot_general3A_30 = tpu.matmul %add3A_26, %get3A_29, %dot_general3A {dimension_numbers = #tpu.dot_dimension_numbers<[1], [0], [0], [1], [0, 0, 1, 1], [], []>, transpose_lhs_hint = false} : vector<1024x256xf32>, vector<256x144xf32>, vector<1024x144xf32> -> vector<1024x144xf32>
    %slice3A = vector.extract_strided_slice %dot_general3A_30 {offsets = [0, 0], sizes = [1024, 8], strides = [1, 1]} : vector<1024x144xf32> to vector<1024x8xf32>
    %integer_pow3A_31 = arith.mulf %slice3A, %slice3A : vector<1024x8xf32>
    %integer_pow3A_32 = arith.mulf %slice3A, %integer_pow3A_31 : vector<1024x8xf32>
    %mul3A_33 = arith.constant 4.471500e-02 : f32
    %mul3A_34 = vector.broadcast %mul3A_33 : f32 to vector<1024x8xf32>
    %mul3A_35 = arith.mulf %mul3A_34, %integer_pow3A_32 : vector<1024x8xf32>
    %add3A_36 = arith.addf %slice3A, %mul3A_35 : vector<1024x8xf32>
    %mul3A_37 = arith.constant 0.797884583 : f32
    %mul3A_38 = vector.broadcast %mul3A_37 : f32 to vector<1024x8xf32>
    %mul3A_39 = arith.mulf %mul3A_38, %add3A_36 : vector<1024x8xf32>
    %tanh3A = math.tanh %mul3A_39 : vector<1024x8xf32>
    %add3A_40 = arith.constant 1.000000e+00 : f32
    %add3A_41 = vector.broadcast %add3A_40 : f32 to vector<1024x8xf32>
    %add3A_42 = arith.addf %add3A_41, %tanh3A : vector<1024x8xf32>
    %mul3A_43 = arith.constant 5.000000e-01 : f32
    %mul3A_44 = vector.broadcast %mul3A_43 : f32 to vector<1024x8xf32>
    %mul3A_45 = arith.mulf %mul3A_44, %add3A_42 : vector<1024x8xf32>
    %mul3A_46 = arith.mulf %slice3A, %mul3A_45 : vector<1024x8xf32>
    %slice3A_47 = vector.extract_strided_slice %dot_general3A_30 {offsets = [0, 8], sizes = [1024, 8], strides = [1, 1]} : vector<1024x144xf32> to vector<1024x8xf32>
    %slice3A_48 = vector.extract_strided_slice %dot_general3A_30 {offsets = [0, 16], sizes = [1024, 64], strides = [1, 1]} : vector<1024x144xf32> to vector<1024x64xf32>
    %slice3A_49 = vector.extract_strided_slice %dot_general3A_30 {offsets = [0, 80], sizes = [1024, 64], strides = [1, 1]} : vector<1024x144xf32> to vector<1024x64xf32>
    %get3A_50 = arith.constant 0 : index
    %get3A_51 = arith.constant 0 : index
    %get3A_52 = vector.load %arg1[%get3A_50, %get3A_51] : memref<1024x12xf32, #tpu.memory_space<vmem>>, vector<1024x12xf32>
    %slice3A_53 = vector.extract_strided_slice %get3A_52 {offsets = [0, 0], sizes = [1024, 3], strides = [1, 1]} : vector<1024x12xf32> to vector<1024x3xf32>
    %slice3A_54 = vector.extract_strided_slice %get3A_52 {offsets = [0, 3], sizes = [1024, 3], strides = [1, 1]} : vector<1024x12xf32> to vector<1024x3xf32>
    %slice3A_55 = vector.extract_strided_slice %get3A_52 {offsets = [0, 6], sizes = [1024, 3], strides = [1, 1]} : vector<1024x12xf32> to vector<1024x3xf32>
    %sub3A_56 = arith.subf %slice3A_55, %slice3A_54 : vector<1024x3xf32>
    %mul3A_57 = arith.mulf %sub3A_56, %sub3A_56 : vector<1024x3xf32>
    %reduce_sum3A_58 = arith.constant dense<0.000000e+00> : vector<1024xf32>
    %reduce_sum3A_59 = vector.multi_reduction <add>, %mul3A_57, %reduce_sum3A_58 [1] : vector<1024x3xf32> to vector<1024xf32>
    %broadcast_in_dim3A_60 = vector.shape_cast %reduce_sum3A_59 : vector<1024xf32> to vector<1024x1xf32>
    %add3A_61 = arith.constant 9.99999993E-9 : f32
    %add3A_62 = vector.broadcast %add3A_61 : f32 to vector<1024x1xf32>
    %add3A_63 = arith.addf %broadcast_in_dim3A_60, %add3A_62 : vector<1024x1xf32>
    %rsqrt3A_64 = math.rsqrt %add3A_63 : vector<1024x1xf32>
    %mul3A_65 = vector.broadcast %rsqrt3A_64 : vector<1024x1xf32> to vector<1024x3xf32>
    %mul3A_66 = arith.mulf %sub3A_56, %mul3A_65 : vector<1024x3xf32>
    %sub3A_67 = arith.subf %slice3A_53, %slice3A_54 : vector<1024x3xf32>
    %mul3A_68 = arith.mulf %sub3A_67, %mul3A_66 : vector<1024x3xf32>
    %reduce_sum3A_69 = arith.constant dense<0.000000e+00> : vector<1024xf32>
    %reduce_sum3A_70 = vector.multi_reduction <add>, %mul3A_68, %reduce_sum3A_69 [1] : vector<1024x3xf32> to vector<1024xf32>
    %broadcast_in_dim3A_71 = vector.shape_cast %reduce_sum3A_70 : vector<1024xf32> to vector<1024x1xf32>
    %mul3A_72 = vector.broadcast %broadcast_in_dim3A_71 : vector<1024x1xf32> to vector<1024x3xf32>
    %mul3A_73 = arith.mulf %mul3A_72, %mul3A_66 : vector<1024x3xf32>
    %sub3A_74 = arith.subf %sub3A_67, %mul3A_73 : vector<1024x3xf32>
    %mul3A_75 = arith.mulf %sub3A_74, %sub3A_74 : vector<1024x3xf32>
    %reduce_sum3A_76 = arith.constant dense<0.000000e+00> : vector<1024xf32>
    %reduce_sum3A_77 = vector.multi_reduction <add>, %mul3A_75, %reduce_sum3A_76 [1] : vector<1024x3xf32> to vector<1024xf32>
    %broadcast_in_dim3A_78 = vector.shape_cast %reduce_sum3A_77 : vector<1024xf32> to vector<1024x1xf32>
    %add3A_79 = arith.constant 9.99999993E-9 : f32
    %add3A_80 = vector.broadcast %add3A_79 : f32 to vector<1024x1xf32>
    %add3A_81 = arith.addf %broadcast_in_dim3A_78, %add3A_80 : vector<1024x1xf32>
    %rsqrt3A_82 = math.rsqrt %add3A_81 : vector<1024x1xf32>
    %mul3A_83 = vector.broadcast %rsqrt3A_82 : vector<1024x1xf32> to vector<1024x3xf32>
    %mul3A_84 = arith.mulf %sub3A_74, %mul3A_83 : vector<1024x3xf32>
    %slice3A_85 = vector.extract_strided_slice %mul3A_66 {offsets = [0, 1], sizes = [1024, 1], strides = [1, 1]} : vector<1024x3xf32> to vector<1024x1xf32>
    %slice3A_86 = vector.extract_strided_slice %mul3A_84 {offsets = [0, 2], sizes = [1024, 1], strides = [1, 1]} : vector<1024x3xf32> to vector<1024x1xf32>
    %mul3A_87 = arith.mulf %slice3A_85, %slice3A_86 : vector<1024x1xf32>
    %slice3A_88 = vector.extract_strided_slice %mul3A_66 {offsets = [0, 2], sizes = [1024, 1], strides = [1, 1]} : vector<1024x3xf32> to vector<1024x1xf32>
    %slice3A_89 = vector.extract_strided_slice %mul3A_84 {offsets = [0, 1], sizes = [1024, 1], strides = [1, 1]} : vector<1024x3xf32> to vector<1024x1xf32>
    %mul3A_90 = arith.mulf %slice3A_88, %slice3A_89 : vector<1024x1xf32>
    %sub3A_91 = arith.subf %mul3A_87, %mul3A_90 : vector<1024x1xf32>
    %slice3A_92 = vector.extract_strided_slice %mul3A_66 {offsets = [0, 2], sizes = [1024, 1], strides = [1, 1]} : vector<1024x3xf32> to vector<1024x1xf32>
    %slice3A_93 = vector.extract_strided_slice %mul3A_84 {offsets = [0, 0], sizes = [1024, 1], strides = [1, 1]} : vector<1024x3xf32> to vector<1024x1xf32>
    %mul3A_94 = arith.mulf %slice3A_92, %slice3A_93 : vector<1024x1xf32>
    %slice3A_95 = vector.extract_strided_slice %mul3A_66 {offsets = [0, 0], sizes = [1024, 1], strides = [1, 1]} : vector<1024x3xf32> to vector<1024x1xf32>
    %slice3A_96 = vector.extract_strided_slice %mul3A_84 {offsets = [0, 2], sizes = [1024, 1], strides = [1, 1]} : vector<1024x3xf32> to vector<1024x1xf32>
    %mul3A_97 = arith.mulf %slice3A_95, %slice3A_96 : vector<1024x1xf32>
    %sub3A_98 = arith.subf %mul3A_94, %mul3A_97 : vector<1024x1xf32>
    %slice3A_99 = vector.extract_strided_slice %mul3A_66 {offsets = [0, 0], sizes = [1024, 1], strides = [1, 1]} : vector<1024x3xf32> to vector<1024x1xf32>
    %slice3A_100 = vector.extract_strided_slice %mul3A_84 {offsets = [0, 1], sizes = [1024, 1], strides = [1, 1]} : vector<1024x3xf32> to vector<1024x1xf32>
    %mul3A_101 = arith.mulf %slice3A_99, %slice3A_100 : vector<1024x1xf32>
    %slice3A_102 = vector.extract_strided_slice %mul3A_66 {offsets = [0, 1], sizes = [1024, 1], strides = [1, 1]} : vector<1024x3xf32> to vector<1024x1xf32>
    %slice3A_103 = vector.extract_strided_slice %mul3A_84 {offsets = [0, 0], sizes = [1024, 1], strides = [1, 1]} : vector<1024x3xf32> to vector<1024x1xf32>
    %mul3A_104 = arith.mulf %slice3A_102, %slice3A_103 : vector<1024x1xf32>
    %sub3A_105 = arith.subf %mul3A_101, %mul3A_104 : vector<1024x1xf32>
    %concatenate3A = tpu.concatenate %sub3A_91, %sub3A_98, %sub3A_105 in 1 : vector<1024x1xf32>, vector<1024x1xf32>, vector<1024x1xf32> -> vector<1024x3xf32>
    %slice3A_106 = vector.extract_strided_slice %mul3A_66 {offsets = [0, 0], sizes = [1024, 1], strides = [1, 1]} : vector<1024x3xf32> to vector<1024x1xf32>
    %slice3A_107 = vector.extract_strided_slice %mul3A_84 {offsets = [0, 0], sizes = [1024, 1], strides = [1, 1]} : vector<1024x3xf32> to vector<1024x1xf32>
    %slice3A_108 = vector.extract_strided_slice %concatenate3A {offsets = [0, 0], sizes = [1024, 1], strides = [1, 1]} : vector<1024x3xf32> to vector<1024x1xf32>
    %slice3A_109 = vector.extract_strided_slice %mul3A_66 {offsets = [0, 1], sizes = [1024, 1], strides = [1, 1]} : vector<1024x3xf32> to vector<1024x1xf32>
    %slice3A_110 = vector.extract_strided_slice %mul3A_84 {offsets = [0, 1], sizes = [1024, 1], strides = [1, 1]} : vector<1024x3xf32> to vector<1024x1xf32>
    %slice3A_111 = vector.extract_strided_slice %concatenate3A {offsets = [0, 1], sizes = [1024, 1], strides = [1, 1]} : vector<1024x3xf32> to vector<1024x1xf32>
    %slice3A_112 = vector.extract_strided_slice %mul3A_66 {offsets = [0, 2], sizes = [1024, 1], strides = [1, 1]} : vector<1024x3xf32> to vector<1024x1xf32>
    %slice3A_113 = vector.extract_strided_slice %mul3A_84 {offsets = [0, 2], sizes = [1024, 1], strides = [1, 1]} : vector<1024x3xf32> to vector<1024x1xf32>
    %slice3A_114 = vector.extract_strided_slice %concatenate3A {offsets = [0, 2], sizes = [1024, 1], strides = [1, 1]} : vector<1024x3xf32> to vector<1024x1xf32>
    %concatenate3A_115 = tpu.concatenate %slice3A_106, %slice3A_107, %slice3A_108, %slice3A_109, %slice3A_110, %slice3A_111, %slice3A_112, %slice3A_113, %slice3A_114 in 1 : vector<1024x1xf32>, vector<1024x1xf32>, vector<1024x1xf32>, vector<1024x1xf32>, vector<1024x1xf32>, vector<1024x1xf32>, vector<1024x1xf32>, vector<1024x1xf32>, vector<1024x1xf32> -> vector<1024x9xf32>
    %get3A_116 = arith.constant 0 : index
    %get3A_117 = arith.constant 0 : index
    %get3A_118 = vector.load %arg2[%get3A_116, %get3A_117] : memref<1024x1xf32, #tpu.memory_space<vmem>>, vector<1024x1xf32>
    %get3A_119 = arith.constant 0 : index
    %get3A_120 = arith.constant 0 : index
    %get3A_121 = vector.load %arg6[%get3A_119, %get3A_120] : memref<1x1xf32, #tpu.memory_space<vmem>>, vector<1x1xf32>
    %exp3A = math.exp %get3A_121 : vector<1x1xf32>
    %log1p3A = math.log1p %exp3A : vector<1x1xf32>
    %mul3A_122 = arith.constant 1.000000e-01 : f32
    %mul3A_123 = vector.broadcast %mul3A_122 : f32 to vector<1x1xf32>
    %mul3A_124 = arith.mulf %log1p3A, %mul3A_123 : vector<1x1xf32>
    %broadcast_in_dim3A_125 = vector.shape_cast %mul3A_124 : vector<1x1xf32> to vector<1x1xf32>
    %broadcast_in_dim3A_126 = vector.broadcast %broadcast_in_dim3A_125 : vector<1x1xf32> to vector<1024x1xf32>
    %broadcast_in_dim3A_127 = arith.constant 0.000000e+00 : f32
    %broadcast_in_dim3A_128 = vector.broadcast %broadcast_in_dim3A_127 : f32 to vector<1024x43xf32>
    %broadcast_in_dim3A_129 = arith.constant 0.000000e+00 : f32
    %broadcast_in_dim3A_130 = vector.broadcast %broadcast_in_dim3A_129 : f32 to vector<1024x10xf32>
    %concatenate3A_131 = tpu.concatenate %slice3A_47, %slice3A_49, %get3A_52, %get3A_118, %broadcast_in_dim3A_128 in 1 : vector<1024x8xf32>, vector<1024x64xf32>, vector<1024x12xf32>, vector<1024x1xf32>, vector<1024x43xf32> -> vector<1024x128xf32>
    %swap3A = arith.constant 0 : index
    %swap3A_132 = arith.constant 0 : index
    %swap3A_133 = vector.load %arg7[%swap3A, %swap3A_132] : memref<1024x128xf32, #tpu.memory_space<vmem>>, vector<1024x128xf32>
    tpu.vector_store %arg7[%swap3A, %swap3A_132], %concatenate3A_131 {strides = array<i32>} : memref<1024x128xf32, #tpu.memory_space<vmem>>, vector<1024x128xf32>,
    %concatenate3A_134 = tpu.concatenate %mul3A_46, %slice3A_48, %concatenate3A_115, %slice3A_54, %get3A_118, %broadcast_in_dim3A_126, %broadcast_in_dim3A_130 in 1 : vector<1024x8xf32>, vector<1024x64xf32>, vector<1024x9xf32>, vector<1024x3xf32>, vector<1024x1xf32>, vector<1024x1xf32>, vector<1024x10xf32> -> vector<1024x96xf32>
    %swap3A_135 = arith.constant 0 : index
    %swap3A_136 = arith.constant 0 : index
    %swap3A_137 = vector.load %arg8[%swap3A_135, %swap3A_136] : memref<1024x96xf32, #tpu.memory_space<vmem>>, vector<1024x96xf32>
    tpu.vector_store %arg8[%swap3A_135, %swap3A_136], %concatenate3A_134 {strides = array<i32>} : memref<1024x96xf32, #tpu.memory_space<vmem>>, vector<1024x96xf32>,
    return
  }
}

module attributes {stable_mosaic.version = 14 : i64} {
  func.func @_stage3_body(%arg0: i32, %arg1: memref<64x32x64xf32, #tpu.memory_space<vmem>>, %arg2: memref<2048x128xf32, #tpu.memory_space<vmem>>, %arg3: memref<64x96xf32, #tpu.memory_space<vmem>>, %arg4: memref<2048x1xi32, #tpu.memory_space<vmem>>, %arg5: memref<1x64xf32, #tpu.memory_space<vmem>>, %arg6: memref<1x64xf32, #tpu.memory_space<vmem>>, %arg7: memref<1x64xf32, #tpu.memory_space<vmem>>, %arg8: memref<1x64xf32, #tpu.memory_space<vmem>>, %arg9: memref<192x256xf32, #tpu.memory_space<vmem>>, %arg10: memref<128x64xf32, #tpu.memory_space<vmem>>, %arg11: memref<88x128xf32, #tpu.memory_space<vmem>>, %arg12: memref<160x128xf32, #tpu.memory_space<vmem>>, %arg13: memref<64x64xf32, #tpu.memory_space<vmem>>, %arg14: memref<12x128xf32, #tpu.memory_space<vmem>>, %arg15: memref<12x128xf32, #tpu.memory_space<vmem>>, %arg16: memref<12x36xf32, #tpu.memory_space<vmem>>, %arg17: memref<9x36xf32, #tpu.memory_space<vmem>>, %arg18: memref<36x12xf32, #tpu.memory_space<vmem>>, %arg19: memref<12x48xf32, #tpu.memory_space<vmem>>, %arg20: memref<12x48xf32, #tpu.memory_space<vmem>>, %arg21: memref<48x48xf32, #tpu.memory_space<vmem>>, %arg22: memref<12x12xf32, #tpu.memory_space<vmem>>, %arg23: memref<8x64xf32, #tpu.memory_space<vmem>>, %arg24: memref<8x64xf32, #tpu.memory_space<vmem>>, %arg25: memref<64x32x64xf32, #tpu.memory_space<vmem>>) attributes {dimension_semantics = [#tpu.dimension_semantics<arbitrary>], iteration_bounds = array<i64: 16>, scalar_prefetch = 0 : i64, scratch_operands = 0 : i64, tpu.core_type = #tpu.core_type<tc>, window_params = [{transform_indices = @transform_0, window_bounds = array<i64: 64, 32, 64>}, {transform_indices = @transform_1, window_bounds = array<i64: 2048, 128>}, {transform_indices = @transform_2, window_bounds = array<i64: 64, 96>}, {transform_indices = @transform_3, window_bounds = array<i64: 2048, 1>}, {pipeline_mode = #tpu.pipeline_mode<synchronous>, transform_indices = @transform_4, window_bounds = array<i64: 1, 64>}, {pipeline_mode = #tpu.pipeline_mode<synchronous>, transform_indices = @transform_5, window_bounds = array<i64: 1, 64>}, {pipeline_mode = #tpu.pipeline_mode<synchronous>, transform_indices = @transform_6, window_bounds = array<i64: 1, 64>}, {pipeline_mode = #tpu.pipeline_mode<synchronous>, transform_indices = @transform_7, window_bounds = array<i64: 1, 64>}, {pipeline_mode = #tpu.pipeline_mode<synchronous>, transform_indices = @transform_8, window_bounds = array<i64: 192, 256>}, {pipeline_mode = #tpu.pipeline_mode<synchronous>, transform_indices = @transform_9, window_bounds = array<i64: 128, 64>}, {pipeline_mode = #tpu.pipeline_mode<synchronous>, transform_indices = @transform_10, window_bounds = array<i64: 88, 128>}, {pipeline_mode = #tpu.pipeline_mode<synchronous>, transform_indices = @transform_11, window_bounds = array<i64: 160, 128>}, {pipeline_mode = #tpu.pipeline_mode<synchronous>, transform_indices = @transform_12, window_bounds = array<i64: 64, 64>}, {pipeline_mode = #tpu.pipeline_mode<synchronous>, transform_indices = @transform_13, window_bounds = array<i64: 12, 128>}, {pipeline_mode = #tpu.pipeline_mode<synchronous>, transform_indices = @transform_14, window_bounds = array<i64: 12, 128>}, {pipeline_mode = #tpu.pipeline_mode<synchronous>, transform_indices = @transform_15, window_bounds = array<i64: 12, 36>}, {pipeline_mode = #tpu.pipeline_mode<synchronous>, transform_indices = @transform_16, window_bounds = array<i64: 9, 36>}, {pipeline_mode = #tpu.pipeline_mode<synchronous>, transform_indices = @transform_17, window_bounds = array<i64: 36, 12>}, {pipeline_mode = #tpu.pipeline_mode<synchronous>, transform_indices = @transform_18, window_bounds = array<i64: 12, 48>}, {pipeline_mode = #tpu.pipeline_mode<synchronous>, transform_indices = @transform_19, window_bounds = array<i64: 12, 48>}, {pipeline_mode = #tpu.pipeline_mode<synchronous>, transform_indices = @transform_20, window_bounds = array<i64: 48, 48>}, {pipeline_mode = #tpu.pipeline_mode<synchronous>, transform_indices = @transform_21, window_bounds = array<i64: 12, 12>}, {pipeline_mode = #tpu.pipeline_mode<synchronous>, transform_indices = @transform_22, window_bounds = array<i64: 8, 64>}, {pipeline_mode = #tpu.pipeline_mode<synchronous>, transform_indices = @transform_23, window_bounds = array<i64: 8, 64>}, {transform_indices = @transform_24, window_bounds = array<i64: 64, 32, 64>}]} {
    %get3A = arith.constant 0 : index
    %get3A_0 = arith.constant 0 : index
    %get3A_1 = arith.constant 0 : index
    %get3A_2 = vector.load %arg1[%get3A, %get3A_0, %get3A_1] : memref<64x32x64xf32, #tpu.memory_space<vmem>>, vector<64x32x64xf32>
    %reshape3A = vector.shape_cast %get3A_2 : vector<64x32x64xf32> to vector<2048x64xf32>
    %get3A_3 = arith.constant 0 : index
    %get3A_4 = arith.constant 0 : index
    %get3A_5 = vector.load %arg2[%get3A_3, %get3A_4] : memref<2048x128xf32, #tpu.memory_space<vmem>>, vector<2048x128xf32>
    %slice3A = vector.extract_strided_slice %get3A_5 {offsets = [0, 0], sizes = [2048, 8], strides = [1, 1]} : vector<2048x128xf32> to vector<2048x8xf32>
    %slice3A_6 = vector.extract_strided_slice %get3A_5 {offsets = [0, 8], sizes = [2048, 64], strides = [1, 1]} : vector<2048x128xf32> to vector<2048x64xf32>
    %slice3A_7 = vector.extract_strided_slice %get3A_5 {offsets = [0, 72], sizes = [2048, 12], strides = [1, 1]} : vector<2048x128xf32> to vector<2048x12xf32>
    %slice3A_8 = vector.extract_strided_slice %get3A_5 {offsets = [0, 84], sizes = [2048, 1], strides = [1, 1]} : vector<2048x128xf32> to vector<2048x1xf32>
    %get3A_9 = arith.constant 0 : index
    %get3A_10 = arith.constant 0 : index
    %get3A_11 = vector.load %arg3[%get3A_9, %get3A_10] : memref<64x96xf32, #tpu.memory_space<vmem>>, vector<64x96xf32>
    %broadcast_in_dim3A = vector.shape_cast %get3A_11 : vector<64x96xf32> to vector<64x1x96xf32>
    %broadcast_in_dim3A_12 = vector.shape_cast %broadcast_in_dim3A : vector<64x1x96xf32> to vector<64x1x96xf32>
    %broadcast_in_dim3A_13 = vector.broadcast %broadcast_in_dim3A_12 : vector<64x1x96xf32> to vector<64x32x96xf32>
    %reshape3A_14 = vector.shape_cast %broadcast_in_dim3A_13 : vector<64x32x96xf32> to vector<2048x96xf32>
    %slice3A_15 = vector.extract_strided_slice %reshape3A_14 {offsets = [0, 0], sizes = [2048, 8], strides = [1, 1]} : vector<2048x96xf32> to vector<2048x8xf32>
    %slice3A_16 = vector.extract_strided_slice %reshape3A_14 {offsets = [0, 8], sizes = [2048, 64], strides = [1, 1]} : vector<2048x96xf32> to vector<2048x64xf32>
    %slice3A_17 = vector.extract_strided_slice %reshape3A_14 {offsets = [0, 72], sizes = [2048, 9], strides = [1, 1]} : vector<2048x96xf32> to vector<2048x9xf32>
    %slice3A_18 = vector.extract_strided_slice %reshape3A_14 {offsets = [0, 81], sizes = [2048, 3], strides = [1, 1]} : vector<2048x96xf32> to vector<2048x3xf32>
    %slice3A_19 = vector.extract_strided_slice %reshape3A_14 {offsets = [0, 84], sizes = [2048, 1], strides = [1, 1]} : vector<2048x96xf32> to vector<2048x1xf32>
    %slice3A_20 = vector.extract_strided_slice %reshape3A_14 {offsets = [0, 85], sizes = [2048, 1], strides = [1, 1]} : vector<2048x96xf32> to vector<2048x1xf32>
    %get3A_21 = arith.constant 0 : index
    %get3A_22 = arith.constant 0 : index
    %get3A_23 = vector.load %arg4[%get3A_21, %get3A_22] : memref<2048x1xi32, #tpu.memory_space<vmem>>, vector<2048x1xi32>
    %ne3A = arith.constant -1 : i32
    %ne3A_24 = vector.broadcast %ne3A : i32 to vector<2048x1xi32>
    %ne3A_25 = arith.cmpi ne, %get3A_23, %ne3A_24 : vector<2048x1xi32>
    %convert_element_type3A = arith.extui %ne3A_25 : vector<2048x1xi1> to vector<2048x1xi32>
    %convert_element_type3A_26 = arith.sitofp %convert_element_type3A : vector<2048x1xi32> to vector<2048x1xf32>
    %mul3A = arith.mulf %slice3A_19, %slice3A_8 : vector<2048x1xf32>
    %mul3A_27 = arith.mulf %mul3A, %convert_element_type3A_26 : vector<2048x1xf32>
    %get3A_28 = arith.constant 0 : index
    %get3A_29 = arith.constant 0 : index
    %get3A_30 = vector.load %arg5[%get3A_28, %get3A_29] : memref<1x64xf32, #tpu.memory_space<vmem>>, vector<1x64xf32>
    %get3A_31 = arith.constant 0 : index
    %get3A_32 = arith.constant 0 : index
    %get3A_33 = vector.load %arg6[%get3A_31, %get3A_32] : memref<1x64xf32, #tpu.memory_space<vmem>>, vector<1x64xf32>
    %reduce_sum3A = arith.constant dense<0.000000e+00> : vector<2048xf32>
    %reduce_sum3A_34 = vector.multi_reduction <add>, %reshape3A, %reduce_sum3A [1] : vector<2048x64xf32> to vector<2048xf32>
    %broadcast_in_dim3A_35 = vector.shape_cast %reduce_sum3A_34 : vector<2048xf32> to vector<2048x1xf32>
    %div3A = arith.constant 6.400000e+01 : f32
    %div3A_36 = vector.broadcast %div3A : f32 to vector<2048x1xf32>
    %div3A_37 = arith.divf %broadcast_in_dim3A_35, %div3A_36 : vector<2048x1xf32>
    %sub3A = vector.broadcast %div3A_37 : vector<2048x1xf32> to vector<2048x64xf32>
    %sub3A_38 = arith.subf %reshape3A, %sub3A : vector<2048x64xf32>
    %integer_pow3A = arith.mulf %sub3A_38, %sub3A_38 : vector<2048x64xf32>
    %reduce_sum3A_39 = arith.constant dense<0.000000e+00> : vector<2048xf32>
    %reduce_sum3A_40 = vector.multi_reduction <add>, %integer_pow3A, %reduce_sum3A_39 [1] : vector<2048x64xf32> to vector<2048xf32>
    %broadcast_in_dim3A_41 = vector.shape_cast %reduce_sum3A_40 : vector<2048xf32> to vector<2048x1xf32>
    %div3A_42 = arith.constant 6.400000e+01 : f32
    %div3A_43 = vector.broadcast %div3A_42 : f32 to vector<2048x1xf32>
    %div3A_44 = arith.divf %broadcast_in_dim3A_41, %div3A_43 : vector<2048x1xf32>
    %sub3A_45 = vector.broadcast %div3A_37 : vector<2048x1xf32> to vector<2048x64xf32>
    %sub3A_46 = arith.subf %reshape3A, %sub3A_45 : vector<2048x64xf32>
    %add3A = arith.constant 9.99999974E-6 : f32
    %add3A_47 = vector.broadcast %add3A : f32 to vector<2048x1xf32>
    %add3A_48 = arith.addf %div3A_44, %add3A_47 : vector<2048x1xf32>
    %rsqrt3A = math.rsqrt %add3A_48 : vector<2048x1xf32>
    %mul3A_49 = vector.broadcast %rsqrt3A : vector<2048x1xf32> to vector<2048x64xf32>
    %mul3A_50 = arith.mulf %sub3A_46, %mul3A_49 : vector<2048x64xf32>
    %mul3A_51 = vector.broadcast %get3A_30 : vector<1x64xf32> to vector<2048x64xf32>
    %mul3A_52 = arith.mulf %mul3A_50, %mul3A_51 : vector<2048x64xf32>
    %add3A_53 = vector.broadcast %get3A_33 : vector<1x64xf32> to vector<2048x64xf32>
    %add3A_54 = arith.addf %mul3A_52, %add3A_53 : vector<2048x64xf32>
    %get3A_55 = arith.constant 0 : index
    %get3A_56 = arith.constant 0 : index
    %get3A_57 = vector.load %arg23[%get3A_55, %get3A_56] : memref<8x64xf32, #tpu.memory_space<vmem>>, vector<8x64xf32>
    %dot_general3A = arith.constant dense<0.000000e+00> : vector<2048x64xf32>
    %dot_general3A_58 = tpu.matmul %slice3A_15, %get3A_57, %dot_general3A {dimension_numbers = #tpu.dot_dimension_numbers<[1], [0], [0], [1], [0, 0, 1, 1], [], []>, transpose_lhs_hint = false} : vector<2048x8xf32>, vector<8x64xf32>, vector<2048x64xf32> -> vector<2048x64xf32>
    %get3A_59 = arith.constant 0 : index
    %get3A_60 = arith.constant 0 : index
    %get3A_61 = vector.load %arg24[%get3A_59, %get3A_60] : memref<8x64xf32, #tpu.memory_space<vmem>>, vector<8x64xf32>
    %dot_general3A_62 = arith.constant dense<0.000000e+00> : vector<2048x64xf32>
    %dot_general3A_63 = tpu.matmul %slice3A, %get3A_61, %dot_general3A_62 {dimension_numbers = #tpu.dot_dimension_numbers<[1], [0], [0], [1], [0, 0, 1, 1], [], []>, transpose_lhs_hint = false} : vector<2048x8xf32>, vector<8x64xf32>, vector<2048x64xf32> -> vector<2048x64xf32>
    %mul3A_64 = arith.mulf %dot_general3A_58, %dot_general3A_63 : vector<2048x64xf32>
    %add3A_65 = arith.addf %slice3A_16, %slice3A_6 : vector<2048x64xf32>
    %get3A_66 = arith.constant 0 : index
    %get3A_67 = arith.constant 0 : index
    %get3A_68 = vector.load %arg9[%get3A_66, %get3A_67] : memref<192x256xf32, #tpu.memory_space<vmem>>, vector<192x256xf32>
    %slice3A_69 = vector.extract_strided_slice %get3A_68 {offsets = [0, 0], sizes = [64, 256], strides = [1, 1]} : vector<192x256xf32> to vector<64x256xf32>
    %dot_general3A_70 = arith.constant dense<0.000000e+00> : vector<2048x256xf32>
    %dot_general3A_71 = tpu.matmul %add3A_54, %slice3A_69, %dot_general3A_70 {dimension_numbers = #tpu.dot_dimension_numbers<[1], [0], [0], [1], [0, 0, 1, 1], [], []>, transpose_lhs_hint = false} : vector<2048x64xf32>, vector<64x256xf32>, vector<2048x256xf32> -> vector<2048x256xf32>
    %slice3A_72 = vector.extract_strided_slice %get3A_68 {offsets = [64, 0], sizes = [64, 256], strides = [1, 1]} : vector<192x256xf32> to vector<64x256xf32>
    %dot_general3A_73 = arith.constant dense<0.000000e+00> : vector<2048x256xf32>
    %dot_general3A_74 = tpu.matmul %mul3A_64, %slice3A_72, %dot_general3A_73 {dimension_numbers = #tpu.dot_dimension_numbers<[1], [0], [0], [1], [0, 0, 1, 1], [], []>, transpose_lhs_hint = false} : vector<2048x64xf32>, vector<64x256xf32>, vector<2048x256xf32> -> vector<2048x256xf32>
    %add3A_75 = arith.addf %dot_general3A_71, %dot_general3A_74 : vector<2048x256xf32>
    %slice3A_76 = vector.extract_strided_slice %get3A_68 {offsets = [128, 0], sizes = [64, 256], strides = [1, 1]} : vector<192x256xf32> to vector<64x256xf32>
    %dot_general3A_77 = arith.constant dense<0.000000e+00> : vector<2048x256xf32>
    %dot_general3A_78 = tpu.matmul %add3A_65, %slice3A_76, %dot_general3A_77 {dimension_numbers = #tpu.dot_dimension_numbers<[1], [0], [0], [1], [0, 0, 1, 1], [], []>, transpose_lhs_hint = false} : vector<2048x64xf32>, vector<64x256xf32>, vector<2048x256xf32> -> vector<2048x256xf32>
    %add3A_79 = arith.addf %add3A_75, %dot_general3A_78 : vector<2048x256xf32>
    %slice3A_80 = vector.extract_strided_slice %add3A_79 {offsets = [0, 0], sizes = [2048, 128], strides = [1, 1]} : vector<2048x256xf32> to vector<2048x128xf32>
    %integer_pow3A_81 = arith.mulf %slice3A_80, %slice3A_80 : vector<2048x128xf32>
    %integer_pow3A_82 = arith.mulf %slice3A_80, %integer_pow3A_81 : vector<2048x128xf32>
    %mul3A_83 = arith.constant 4.471500e-02 : f32
    %mul3A_84 = vector.broadcast %mul3A_83 : f32 to vector<2048x128xf32>
    %mul3A_85 = arith.mulf %mul3A_84, %integer_pow3A_82 : vector<2048x128xf32>
    %add3A_86 = arith.addf %slice3A_80, %mul3A_85 : vector<2048x128xf32>
    %mul3A_87 = arith.constant 0.797884583 : f32
    %mul3A_88 = vector.broadcast %mul3A_87 : f32 to vector<2048x128xf32>
    %mul3A_89 = arith.mulf %mul3A_88, %add3A_86 : vector<2048x128xf32>
    %tanh3A = math.tanh %mul3A_89 : vector<2048x128xf32>
    %add3A_90 = arith.constant 1.000000e+00 : f32
    %add3A_91 = vector.broadcast %add3A_90 : f32 to vector<2048x128xf32>
    %add3A_92 = arith.addf %add3A_91, %tanh3A : vector<2048x128xf32>
    %mul3A_93 = arith.constant 5.000000e-01 : f32
    %mul3A_94 = vector.broadcast %mul3A_93 : f32 to vector<2048x128xf32>
    %mul3A_95 = arith.mulf %mul3A_94, %add3A_92 : vector<2048x128xf32>
    %mul3A_96 = arith.mulf %slice3A_80, %mul3A_95 : vector<2048x128xf32>
    %slice3A_97 = vector.extract_strided_slice %add3A_79 {offsets = [0, 128], sizes = [2048, 128], strides = [1, 1]} : vector<2048x256xf32> to vector<2048x128xf32>
    %mul3A_98 = arith.mulf %mul3A_96, %slice3A_97 : vector<2048x128xf32>
    %get3A_99 = arith.constant 0 : index
    %get3A_100 = arith.constant 0 : index
    %get3A_101 = vector.load %arg10[%get3A_99, %get3A_100] : memref<128x64xf32, #tpu.memory_space<vmem>>, vector<128x64xf32>
    %dot_general3A_102 = arith.constant dense<0.000000e+00> : vector<2048x64xf32>
    %dot_general3A_103 = tpu.matmul %mul3A_98, %get3A_101, %dot_general3A_102 {dimension_numbers = #tpu.dot_dimension_numbers<[1], [0], [0], [1], [0, 0, 1, 1], [], []>, transpose_lhs_hint = false} : vector<2048x128xf32>, vector<128x64xf32>, vector<2048x64xf32> -> vector<2048x64xf32>
    %add3A_104 = arith.addf %reshape3A, %dot_general3A_103 : vector<2048x64xf32>
    %get3A_105 = arith.constant 0 : index
    %get3A_106 = arith.constant 0 : index
    %get3A_107 = vector.load %arg7[%get3A_105, %get3A_106] : memref<1x64xf32, #tpu.memory_space<vmem>>, vector<1x64xf32>
    %get3A_108 = arith.constant 0 : index
    %get3A_109 = arith.constant 0 : index
    %get3A_110 = vector.load %arg8[%get3A_108, %get3A_109] : memref<1x64xf32, #tpu.memory_space<vmem>>, vector<1x64xf32>
    %reduce_sum3A_111 = arith.constant dense<0.000000e+00> : vector<2048xf32>
    %reduce_sum3A_112 = vector.multi_reduction <add>, %add3A_104, %reduce_sum3A_111 [1] : vector<2048x64xf32> to vector<2048xf32>
    %broadcast_in_dim3A_113 = vector.shape_cast %reduce_sum3A_112 : vector<2048xf32> to vector<2048x1xf32>
    %div3A_114 = arith.constant 6.400000e+01 : f32
    %div3A_115 = vector.broadcast %div3A_114 : f32 to vector<2048x1xf32>
    %div3A_116 = arith.divf %broadcast_in_dim3A_113, %div3A_115 : vector<2048x1xf32>
    %sub3A_117 = vector.broadcast %div3A_116 : vector<2048x1xf32> to vector<2048x64xf32>
    %sub3A_118 = arith.subf %add3A_104, %sub3A_117 : vector<2048x64xf32>
    %integer_pow3A_119 = arith.mulf %sub3A_118, %sub3A_118 : vector<2048x64xf32>
    %reduce_sum3A_120 = arith.constant dense<0.000000e+00> : vector<2048xf32>
    %reduce_sum3A_121 = vector.multi_reduction <add>, %integer_pow3A_119, %reduce_sum3A_120 [1] : vector<2048x64xf32> to vector<2048xf32>
    %broadcast_in_dim3A_122 = vector.shape_cast %reduce_sum3A_121 : vector<2048xf32> to vector<2048x1xf32>
    %div3A_123 = arith.constant 6.400000e+01 : f32
    %div3A_124 = vector.broadcast %div3A_123 : f32 to vector<2048x1xf32>
    %div3A_125 = arith.divf %broadcast_in_dim3A_122, %div3A_124 : vector<2048x1xf32>
    %sub3A_126 = vector.broadcast %div3A_116 : vector<2048x1xf32> to vector<2048x64xf32>
    %sub3A_127 = arith.subf %add3A_104, %sub3A_126 : vector<2048x64xf32>
    %add3A_128 = arith.constant 9.99999974E-6 : f32
    %add3A_129 = vector.broadcast %add3A_128 : f32 to vector<2048x1xf32>
    %add3A_130 = arith.addf %div3A_125, %add3A_129 : vector<2048x1xf32>
    %rsqrt3A_131 = math.rsqrt %add3A_130 : vector<2048x1xf32>
    %mul3A_132 = vector.broadcast %rsqrt3A_131 : vector<2048x1xf32> to vector<2048x64xf32>
    %mul3A_133 = arith.mulf %sub3A_127, %mul3A_132 : vector<2048x64xf32>
    %mul3A_134 = vector.broadcast %get3A_107 : vector<1x64xf32> to vector<2048x64xf32>
    %mul3A_135 = arith.mulf %mul3A_133, %mul3A_134 : vector<2048x64xf32>
    %add3A_136 = vector.broadcast %get3A_110 : vector<1x64xf32> to vector<2048x64xf32>
    %add3A_137 = arith.addf %mul3A_135, %add3A_136 : vector<2048x64xf32>
    %concatenate3A = tpu.concatenate %slice3A_18, %slice3A_18, %slice3A_18, %slice3A_18 in 1 : vector<2048x3xf32>, vector<2048x3xf32>, vector<2048x3xf32>, vector<2048x3xf32> -> vector<2048x12xf32>
    %sub3A_138 = arith.subf %slice3A_7, %concatenate3A : vector<2048x12xf32>
    %get3A_139 = arith.constant 0 : index
    %get3A_140 = arith.constant 0 : index
    %get3A_141 = vector.load %arg16[%get3A_139, %get3A_140] : memref<12x36xf32, #tpu.memory_space<vmem>>, vector<12x36xf32>
    %dot_general3A_142 = arith.constant dense<0.000000e+00> : vector<2048x36xf32>
    %dot_general3A_143 = tpu.matmul %sub3A_138, %get3A_141, %dot_general3A_142 {dimension_numbers = #tpu.dot_dimension_numbers<[1], [0], [0], [1], [0, 0, 1, 1], [], []>, transpose_lhs_hint = false} : vector<2048x12xf32>, vector<12x36xf32>, vector<2048x36xf32> -> vector<2048x36xf32>
    %get3A_144 = arith.constant 0 : index
    %get3A_145 = arith.constant 0 : index
    %get3A_146 = vector.load %arg17[%get3A_144, %get3A_145] : memref<9x36xf32, #tpu.memory_space<vmem>>, vector<9x36xf32>
    %dot_general3A_147 = arith.constant dense<0.000000e+00> : vector<2048x36xf32>
    %dot_general3A_148 = tpu.matmul %slice3A_17, %get3A_146, %dot_general3A_147 {dimension_numbers = #tpu.dot_dimension_numbers<[1], [0], [0], [1], [0, 0, 1, 1], [], []>, transpose_lhs_hint = false} : vector<2048x9xf32>, vector<9x36xf32>, vector<2048x36xf32> -> vector<2048x36xf32>
    %mul3A_149 = arith.mulf %dot_general3A_143, %dot_general3A_148 : vector<2048x36xf32>
    %get3A_150 = arith.constant 0 : index
    %get3A_151 = arith.constant 0 : index
    %get3A_152 = vector.load %arg18[%get3A_150, %get3A_151] : memref<36x12xf32, #tpu.memory_space<vmem>>, vector<36x12xf32>
    %dot_general3A_153 = arith.constant dense<0.000000e+00> : vector<2048x12xf32>
    %dot_general3A_154 = tpu.matmul %mul3A_149, %get3A_152, %dot_general3A_153 {dimension_numbers = #tpu.dot_dimension_numbers<[1], [0], [0], [1], [0, 0, 1, 1], [], []>, transpose_lhs_hint = false} : vector<2048x36xf32>, vector<36x12xf32>, vector<2048x12xf32> -> vector<2048x12xf32>
    %mul3A_155 = arith.mulf %dot_general3A_154, %dot_general3A_154 : vector<2048x12xf32>
    %get3A_156 = arith.constant 0 : index
    %get3A_157 = arith.constant 0 : index
    %get3A_158 = vector.load %arg22[%get3A_156, %get3A_157] : memref<12x12xf32, #tpu.memory_space<vmem>>, vector<12x12xf32>
    %dot_general3A_159 = arith.constant dense<0.000000e+00> : vector<2048x12xf32>
    %dot_general3A_160 = tpu.matmul %mul3A_155, %get3A_158, %dot_general3A_159 {dimension_numbers = #tpu.dot_dimension_numbers<[1], [0], [0], [1], [0, 0, 1, 1], [], []>, transpose_lhs_hint = false} : vector<2048x12xf32>, vector<12x12xf32>, vector<2048x12xf32> -> vector<2048x12xf32>
    %add3A_161 = arith.constant 9.99999993E-9 : f32
    %add3A_162 = vector.broadcast %add3A_161 : f32 to vector<2048x12xf32>
    %add3A_163 = arith.addf %dot_general3A_160, %add3A_162 : vector<2048x12xf32>
    %rsqrt3A_164 = math.rsqrt %add3A_163 : vector<2048x12xf32>
    %mul3A_165 = arith.mulf %dot_general3A_154, %rsqrt3A_164 : vector<2048x12xf32>
    %get3A_166 = arith.constant 0 : index
    %get3A_167 = arith.constant 0 : index
    %get3A_168 = vector.load %arg11[%get3A_166, %get3A_167] : memref<88x128xf32, #tpu.memory_space<vmem>>, vector<88x128xf32>
    %slice3A_169 = vector.extract_strided_slice %get3A_168 {offsets = [0, 0], sizes = [64, 128], strides = [1, 1]} : vector<88x128xf32> to vector<64x128xf32>
    %dot_general3A_170 = arith.constant dense<0.000000e+00> : vector<2048x128xf32>
    %dot_general3A_171 = tpu.matmul %add3A_137, %slice3A_169, %dot_general3A_170 {dimension_numbers = #tpu.dot_dimension_numbers<[1], [0], [0], [1], [0, 0, 1, 1], [], []>, transpose_lhs_hint = false} : vector<2048x64xf32>, vector<64x128xf32>, vector<2048x128xf32> -> vector<2048x128xf32>
    %slice3A_172 = vector.extract_strided_slice %get3A_168 {offsets = [64, 0], sizes = [12, 128], strides = [1, 1]} : vector<88x128xf32> to vector<12x128xf32>
    %dot_general3A_173 = arith.constant dense<0.000000e+00> : vector<2048x128xf32>
    %dot_general3A_174 = tpu.matmul %dot_general3A_154, %slice3A_172, %dot_general3A_173 {dimension_numbers = #tpu.dot_dimension_numbers<[1], [0], [0], [1], [0, 0, 1, 1], [], []>, transpose_lhs_hint = false} : vector<2048x12xf32>, vector<12x128xf32>, vector<2048x128xf32> -> vector<2048x128xf32>
    %mul3A_175 = vector.broadcast %slice3A_20 : vector<2048x1xf32> to vector<2048x128xf32>
    %mul3A_176 = arith.mulf %mul3A_175, %dot_general3A_174 : vector<2048x128xf32>
    %add3A_177 = arith.addf %dot_general3A_171, %mul3A_176 : vector<2048x128xf32>
    %slice3A_178 = vector.extract_strided_slice %get3A_168 {offsets = [76, 0], sizes = [12, 128], strides = [1, 1]} : vector<88x128xf32> to vector<12x128xf32>
    %dot_general3A_179 = arith.constant dense<0.000000e+00> : vector<2048x128xf32>
    %dot_general3A_180 = tpu.matmul %mul3A_165, %slice3A_178, %dot_general3A_179 {dimension_numbers = #tpu.dot_dimension_numbers<[1], [0], [0], [1], [0, 0, 1, 1], [], []>, transpose_lhs_hint = false} : vector<2048x12xf32>, vector<12x128xf32>, vector<2048x128xf32> -> vector<2048x128xf32>
    %add3A_181 = arith.addf %add3A_177, %dot_general3A_180 : vector<2048x128xf32>
    %slice3A_182 = vector.extract_strided_slice %add3A_181 {offsets = [0, 0], sizes = [2048, 64], strides = [1, 1]} : vector<2048x128xf32> to vector<2048x64xf32>
    %slice3A_183 = vector.extract_strided_slice %add3A_181 {offsets = [0, 64], sizes = [2048, 64], strides = [1, 1]} : vector<2048x128xf32> to vector<2048x64xf32>
    %reshape3A_184 = vector.shape_cast %slice3A_183 : vector<2048x64xf32> to vector<64x32x64xf32>
    %slice3A_185 = vector.extract_strided_slice %reshape3A_184 {offsets = [0, 0, 0], sizes = [64, 8, 64], strides = [1, 1, 1]} : vector<64x32x64xf32> to vector<64x8x64xf32>
    %reshape3A_186 = vector.shape_cast %slice3A_185 : vector<64x8x64xf32> to vector<512x64xf32>
    %reshape3A_187 = vector.shape_cast %dot_general3A_154 : vector<2048x12xf32> to vector<64x32x12xf32>
    %slice3A_188 = vector.extract_strided_slice %reshape3A_187 {offsets = [0, 0, 0], sizes = [64, 8, 12], strides = [1, 1, 1]} : vector<64x32x12xf32> to vector<64x8x12xf32>
    %reshape3A_189 = vector.shape_cast %slice3A_188 : vector<64x8x12xf32> to vector<512x12xf32>
    %reshape3A_190 = vector.shape_cast %mul3A_27 : vector<2048x1xf32> to vector<64x32xf32>
    %slice3A_191 = vector.extract_strided_slice %reshape3A_190 {offsets = [0, 0], sizes = [64, 8], strides = [1, 1]} : vector<64x32xf32> to vector<64x8xf32>
    %get3A_192 = arith.constant 0 : index
    %get3A_193 = arith.constant 0 : index
    %get3A_194 = vector.load %arg12[%get3A_192, %get3A_193] : memref<160x128xf32, #tpu.memory_space<vmem>>, vector<160x128xf32>
    %slice3A_195 = vector.extract_strided_slice %get3A_194 {offsets = [0, 0], sizes = [64, 128], strides = [1, 1]} : vector<160x128xf32> to vector<64x128xf32>
    %dot_general3A_196 = arith.constant dense<0.000000e+00> : vector<2048x128xf32>
    %dot_general3A_197 = tpu.matmul %slice3A_182, %slice3A_195, %dot_general3A_196 {dimension_numbers = #tpu.dot_dimension_numbers<[1], [0], [0], [1], [0, 0, 1, 1], [], []>, transpose_lhs_hint = false} : vector<2048x64xf32>, vector<64x128xf32>, vector<2048x128xf32> -> vector<2048x128xf32>
    %get3A_198 = arith.constant 0 : index
    %get3A_199 = arith.constant 0 : index
    %get3A_200 = vector.load %arg14[%get3A_198, %get3A_199] : memref<12x128xf32, #tpu.memory_space<vmem>>, vector<12x128xf32>
    %dot_general3A_201 = arith.constant dense<0.000000e+00> : vector<2048x128xf32>
    %dot_general3A_202 = tpu.matmul %dot_general3A_154, %get3A_200, %dot_general3A_201 {dimension_numbers = #tpu.dot_dimension_numbers<[1], [0], [0], [1], [0, 0, 1, 1], [], []>, transpose_lhs_hint = false} : vector<2048x12xf32>, vector<12x128xf32>, vector<2048x128xf32> -> vector<2048x128xf32>
    %mul3A_203 = vector.broadcast %slice3A_20 : vector<2048x1xf32> to vector<2048x128xf32>
    %mul3A_204 = arith.mulf %mul3A_203, %dot_general3A_202 : vector<2048x128xf32>
    %add3A_205 = arith.addf %dot_general3A_197, %mul3A_204 : vector<2048x128xf32>
    %slice3A_206 = vector.extract_strided_slice %get3A_11 {offsets = [0, 85], sizes = [64, 1], strides = [1, 1]} : vector<64x96xf32> to vector<64x1xf32>
    %broadcast_in_dim3A_207 = vector.shape_cast %slice3A_206 : vector<64x1xf32> to vector<64x1x1xf32>
    %broadcast_in_dim3A_208 = vector.shape_cast %broadcast_in_dim3A_207 : vector<64x1x1xf32> to vector<64x1x1xf32>
    %broadcast_in_dim3A_209 = vector.broadcast %broadcast_in_dim3A_208 : vector<64x1x1xf32> to vector<64x8x1xf32>
    %reshape3A_210 = vector.shape_cast %broadcast_in_dim3A_209 : vector<64x8x1xf32> to vector<512x1xf32>
    %dot_general3A_211 = arith.constant dense<0.000000e+00> : vector<512x128xf32>
    %dot_general3A_212 = tpu.matmul %reshape3A_186, %slice3A_195, %dot_general3A_211 {dimension_numbers = #tpu.dot_dimension_numbers<[1], [0], [0], [1], [0, 0, 1, 1], [], []>, transpose_lhs_hint = false} : vector<512x64xf32>, vector<64x128xf32>, vector<512x128xf32> -> vector<512x128xf32>
    %get3A_213 = arith.constant 0 : index
    %get3A_214 = arith.constant 0 : index
    %get3A_215 = vector.load %arg15[%get3A_213, %get3A_214] : memref<12x128xf32, #tpu.memory_space<vmem>>, vector<12x128xf32>
    %dot_general3A_216 = arith.constant dense<0.000000e+00> : vector<512x128xf32>
    %dot_general3A_217 = tpu.matmul %reshape3A_189, %get3A_215, %dot_general3A_216 {dimension_numbers = #tpu.dot_dimension_numbers<[1], [0], [0], [1], [0, 0, 1, 1], [], []>, transpose_lhs_hint = false} : vector<512x12xf32>, vector<12x128xf32>, vector<512x128xf32> -> vector<512x128xf32>
    %mul3A_218 = vector.broadcast %reshape3A_210 : vector<512x1xf32> to vector<512x128xf32>
    %mul3A_219 = arith.mulf %mul3A_218, %dot_general3A_217 : vector<512x128xf32>
    %sub3A_220 = arith.subf %dot_general3A_212, %mul3A_219 : vector<512x128xf32>
    %get3A_221 = arith.constant 0 : index
    %get3A_222 = arith.constant 0 : index
    %get3A_223 = vector.load %arg20[%get3A_221, %get3A_222] : memref<12x48xf32, #tpu.memory_space<vmem>>, vector<12x48xf32>
    %dot_general3A_224 = arith.constant dense<0.000000e+00> : vector<512x48xf32>
    %dot_general3A_225 = tpu.matmul %reshape3A_189, %get3A_223, %dot_general3A_224 {dimension_numbers = #tpu.dot_dimension_numbers<[1], [0], [0], [1], [0, 0, 1, 1], [], []>, transpose_lhs_hint = false} : vector<512x12xf32>, vector<12x48xf32>, vector<512x48xf32> -> vector<512x48xf32>
    %get3A_226 = arith.constant 0 : index
    %get3A_227 = arith.constant 0 : index
    %get3A_228 = vector.load %arg19[%get3A_226, %get3A_227] : memref<12x48xf32, #tpu.memory_space<vmem>>, vector<12x48xf32>
    %dot_general3A_229 = arith.constant dense<0.000000e+00> : vector<2048x48xf32>
    %dot_general3A_230 = tpu.matmul %dot_general3A_154, %get3A_228, %dot_general3A_229 {dimension_numbers = #tpu.dot_dimension_numbers<[1], [0], [0], [1], [0, 0, 1, 1], [], []>, transpose_lhs_hint = false} : vector<2048x12xf32>, vector<12x48xf32>, vector<2048x48xf32> -> vector<2048x48xf32>
    %reshape3A_231 = vector.shape_cast %sub3A_220 : vector<512x128xf32> to vector<64x8x128xf32>
    %reshape3A_232 = vector.shape_cast %dot_general3A_225 : vector<512x48xf32> to vector<64x8x48xf32>
    %broadcast_in_dim3A_233 = arith.constant 0.000000e+00 : f32
    %broadcast_in_dim3A_234 = vector.broadcast %broadcast_in_dim3A_233 : f32 to vector<2048x64xf32>
    %broadcast_in_dim3A_235 = arith.constant 0.000000e+00 : f32
    %broadcast_in_dim3A_236 = vector.broadcast %broadcast_in_dim3A_235 : f32 to vector<2048x1xf32>
    %slice3A_237 = vector.extract_strided_slice %reshape3A_231 {offsets = [0, 0, 0], sizes = [64, 1, 128], strides = [1, 1, 1]} : vector<64x8x128xf32> to vector<64x1x128xf32>
    %squeeze3A = vector.shape_cast %slice3A_237 : vector<64x1x128xf32> to vector<64x128xf32>
    %broadcast_in_dim3A_238 = vector.shape_cast %squeeze3A : vector<64x128xf32> to vector<64x1x128xf32>
    %broadcast_in_dim3A_239 = vector.shape_cast %broadcast_in_dim3A_238 : vector<64x1x128xf32> to vector<64x1x128xf32>
    %broadcast_in_dim3A_240 = vector.broadcast %broadcast_in_dim3A_239 : vector<64x1x128xf32> to vector<64x32x128xf32>
    %reshape3A_241 = vector.shape_cast %broadcast_in_dim3A_240 : vector<64x32x128xf32> to vector<2048x128xf32>
    %slice3A_242 = vector.extract_strided_slice %reshape3A_232 {offsets = [0, 0, 0], sizes = [64, 1, 48], strides = [1, 1, 1]} : vector<64x8x48xf32> to vector<64x1x48xf32>
    %squeeze3A_243 = vector.shape_cast %slice3A_242 : vector<64x1x48xf32> to vector<64x48xf32>
    %broadcast_in_dim3A_244 = vector.shape_cast %squeeze3A_243 : vector<64x48xf32> to vector<64x1x48xf32>
    %broadcast_in_dim3A_245 = vector.shape_cast %broadcast_in_dim3A_244 : vector<64x1x48xf32> to vector<64x1x48xf32>
    %broadcast_in_dim3A_246 = vector.broadcast %broadcast_in_dim3A_245 : vector<64x1x48xf32> to vector<64x32x48xf32>
    %reshape3A_247 = vector.shape_cast %broadcast_in_dim3A_246 : vector<64x32x48xf32> to vector<2048x48xf32>
    %slice3A_248 = vector.extract_strided_slice %slice3A_191 {offsets = [0, 0], sizes = [64, 1], strides = [1, 1]} : vector<64x8xf32> to vector<64x1xf32>
    %squeeze3A_249 = vector.shape_cast %slice3A_248 : vector<64x1xf32> to vector<64xf32>
    %broadcast_in_dim3A_250 = vector.shape_cast %squeeze3A_249 : vector<64xf32> to vector<64x1x1xf32>
    %broadcast_in_dim3A_251 = vector.shape_cast %broadcast_in_dim3A_250 : vector<64x1x1xf32> to vector<64x1x1xf32>
    %broadcast_in_dim3A_252 = vector.broadcast %broadcast_in_dim3A_251 : vector<64x1x1xf32> to vector<64x32x1xf32>
    %reshape3A_253 = vector.shape_cast %broadcast_in_dim3A_252 : vector<64x32x1xf32> to vector<2048x1xf32>
    %sub3A_254 = arith.subf %dot_general3A_230, %reshape3A_247 : vector<2048x48xf32>
    %mul3A_255 = arith.mulf %sub3A_254, %sub3A_254 : vector<2048x48xf32>
    %get3A_256 = arith.constant 0 : index
    %get3A_257 = arith.constant 0 : index
    %get3A_258 = vector.load %arg21[%get3A_256, %get3A_257] : memref<48x48xf32, #tpu.memory_space<vmem>>, vector<48x48xf32>
    %dot_general3A_259 = arith.constant dense<0.000000e+00> : vector<2048x48xf32>
    %dot_general3A_260 = tpu.matmul %mul3A_255, %get3A_258, %dot_general3A_259 {dimension_numbers = #tpu.dot_dimension_numbers<[1], [0], [0], [1], [0, 0, 1, 1], [], []>, transpose_lhs_hint = false} : vector<2048x48xf32>, vector<48x48xf32>, vector<2048x48xf32> -> vector<2048x48xf32>
    %add3A_261 = arith.constant 9.99999993E-9 : f32
    %add3A_262 = vector.broadcast %add3A_261 : f32 to vector<2048x48xf32>
    %add3A_263 = arith.addf %dot_general3A_260, %add3A_262 : vector<2048x48xf32>
    %rsqrt3A_264 = math.rsqrt %add3A_263 : vector<2048x48xf32>
    %mul3A_265 = arith.mulf %sub3A_254, %rsqrt3A_264 : vector<2048x48xf32>
    %add3A_266 = arith.addf %add3A_205, %reshape3A_241 : vector<2048x128xf32>
    %slice3A_267 = vector.extract_strided_slice %get3A_194 {offsets = [112, 0], sizes = [48, 128], strides = [1, 1]} : vector<160x128xf32> to vector<48x128xf32>
    %dot_general3A_268 = arith.constant dense<0.000000e+00> : vector<2048x128xf32>
    %dot_general3A_269 = tpu.matmul %mul3A_265, %slice3A_267, %dot_general3A_268 {dimension_numbers = #tpu.dot_dimension_numbers<[1], [0], [0], [1], [0, 0, 1, 1], [], []>, transpose_lhs_hint = false} : vector<2048x48xf32>, vector<48x128xf32>, vector<2048x128xf32> -> vector<2048x128xf32>
    %add3A_270 = arith.addf %add3A_266, %dot_general3A_269 : vector<2048x128xf32>
    %mul3A_271 = arith.mulf %mul3A_27, %reshape3A_253 : vector<2048x1xf32>
    %gt3A = arith.constant 0.000000e+00 : f32
    %gt3A_272 = vector.broadcast %gt3A : f32 to vector<2048x1xf32>
    %gt3A_273 = arith.cmpf ogt, %mul3A_271, %gt3A_272 : vector<2048x1xf32>
    %convert_element_type3A_274 = arith.extui %gt3A_273 : vector<2048x1xi1> to vector<2048x1xi32>
    %convert_element_type3A_275 = arith.sitofp %convert_element_type3A_274 : vector<2048x1xi32> to vector<2048x1xf32>
    %slice3A_276 = vector.extract_strided_slice %add3A_270 {offsets = [0, 0], sizes = [2048, 64], strides = [1, 1]} : vector<2048x128xf32> to vector<2048x64xf32>
    %integer_pow3A_277 = arith.mulf %slice3A_276, %slice3A_276 : vector<2048x64xf32>
    %integer_pow3A_278 = arith.mulf %slice3A_276, %integer_pow3A_277 : vector<2048x64xf32>
    %mul3A_279 = arith.constant 4.471500e-02 : f32
    %mul3A_280 = vector.broadcast %mul3A_279 : f32 to vector<2048x64xf32>
    %mul3A_281 = arith.mulf %mul3A_280, %integer_pow3A_278 : vector<2048x64xf32>
    %add3A_282 = arith.addf %slice3A_276, %mul3A_281 : vector<2048x64xf32>
    %mul3A_283 = arith.constant 0.797884583 : f32
    %mul3A_284 = vector.broadcast %mul3A_283 : f32 to vector<2048x64xf32>
    %mul3A_285 = arith.mulf %mul3A_284, %add3A_282 : vector<2048x64xf32>
    %tanh3A_286 = math.tanh %mul3A_285 : vector<2048x64xf32>
    %add3A_287 = arith.constant 1.000000e+00 : f32
    %add3A_288 = vector.broadcast %add3A_287 : f32 to vector<2048x64xf32>
    %add3A_289 = arith.addf %add3A_288, %tanh3A_286 : vector<2048x64xf32>
    %mul3A_290 = arith.constant 5.000000e-01 : f32
    %mul3A_291 = vector.broadcast %mul3A_290 : f32 to vector<2048x64xf32>
    %mul3A_292 = arith.mulf %mul3A_291, %add3A_289 : vector<2048x64xf32>
    %mul3A_293 = arith.mulf %slice3A_276, %mul3A_292 : vector<2048x64xf32>
    %slice3A_294 = vector.extract_strided_slice %add3A_270 {offsets = [0, 64], sizes = [2048, 64], strides = [1, 1]} : vector<2048x128xf32> to vector<2048x64xf32>
    %mul3A_295 = arith.mulf %mul3A_293, %slice3A_294 : vector<2048x64xf32>
    %mul3A_296 = vector.broadcast %convert_element_type3A_275 : vector<2048x1xf32> to vector<2048x64xf32>
    %mul3A_297 = arith.mulf %mul3A_295, %mul3A_296 : vector<2048x64xf32>
    %add3A_298 = arith.addf %broadcast_in_dim3A_234, %mul3A_297 : vector<2048x64xf32>
    %add3A_299 = arith.addf %broadcast_in_dim3A_236, %mul3A_271 : vector<2048x1xf32>
    %slice3A_300 = vector.extract_strided_slice %reshape3A_231 {offsets = [0, 1, 0], sizes = [64, 1, 128], strides = [1, 1, 1]} : vector<64x8x128xf32> to vector<64x1x128xf32>
    %squeeze3A_301 = vector.shape_cast %slice3A_300 : vector<64x1x128xf32> to vector<64x128xf32>
    %broadcast_in_dim3A_302 = vector.shape_cast %squeeze3A_301 : vector<64x128xf32> to vector<64x1x128xf32>
    %broadcast_in_dim3A_303 = vector.shape_cast %broadcast_in_dim3A_302 : vector<64x1x128xf32> to vector<64x1x128xf32>
    %broadcast_in_dim3A_304 = vector.broadcast %broadcast_in_dim3A_303 : vector<64x1x128xf32> to vector<64x32x128xf32>
    %reshape3A_305 = vector.shape_cast %broadcast_in_dim3A_304 : vector<64x32x128xf32> to vector<2048x128xf32>
    %slice3A_306 = vector.extract_strided_slice %reshape3A_232 {offsets = [0, 1, 0], sizes = [64, 1, 48], strides = [1, 1, 1]} : vector<64x8x48xf32> to vector<64x1x48xf32>
    %squeeze3A_307 = vector.shape_cast %slice3A_306 : vector<64x1x48xf32> to vector<64x48xf32>
    %broadcast_in_dim3A_308 = vector.shape_cast %squeeze3A_307 : vector<64x48xf32> to vector<64x1x48xf32>
    %broadcast_in_dim3A_309 = vector.shape_cast %broadcast_in_dim3A_308 : vector<64x1x48xf32> to vector<64x1x48xf32>
    %broadcast_in_dim3A_310 = vector.broadcast %broadcast_in_dim3A_309 : vector<64x1x48xf32> to vector<64x32x48xf32>
    %reshape3A_311 = vector.shape_cast %broadcast_in_dim3A_310 : vector<64x32x48xf32> to vector<2048x48xf32>
    %slice3A_312 = vector.extract_strided_slice %slice3A_191 {offsets = [0, 1], sizes = [64, 1], strides = [1, 1]} : vector<64x8xf32> to vector<64x1xf32>
    %squeeze3A_313 = vector.shape_cast %slice3A_312 : vector<64x1xf32> to vector<64xf32>
    %broadcast_in_dim3A_314 = vector.shape_cast %squeeze3A_313 : vector<64xf32> to vector<64x1x1xf32>
    %broadcast_in_dim3A_315 = vector.shape_cast %broadcast_in_dim3A_314 : vector<64x1x1xf32> to vector<64x1x1xf32>
    %broadcast_in_dim3A_316 = vector.broadcast %broadcast_in_dim3A_315 : vector<64x1x1xf32> to vector<64x32x1xf32>
    %reshape3A_317 = vector.shape_cast %broadcast_in_dim3A_316 : vector<64x32x1xf32> to vector<2048x1xf32>
    %sub3A_318 = arith.subf %dot_general3A_230, %reshape3A_311 : vector<2048x48xf32>
    %mul3A_319 = arith.mulf %sub3A_318, %sub3A_318 : vector<2048x48xf32>
    %get3A_320 = arith.constant 0 : index
    %get3A_321 = arith.constant 0 : index
    %get3A_322 = vector.load %arg21[%get3A_320, %get3A_321] : memref<48x48xf32, #tpu.memory_space<vmem>>, vector<48x48xf32>
    %dot_general3A_323 = arith.constant dense<0.000000e+00> : vector<2048x48xf32>
    %dot_general3A_324 = tpu.matmul %mul3A_319, %get3A_322, %dot_general3A_323 {dimension_numbers = #tpu.dot_dimension_numbers<[1], [0], [0], [1], [0, 0, 1, 1], [], []>, transpose_lhs_hint = false} : vector<2048x48xf32>, vector<48x48xf32>, vector<2048x48xf32> -> vector<2048x48xf32>
    %add3A_325 = arith.constant 9.99999993E-9 : f32
    %add3A_326 = vector.broadcast %add3A_325 : f32 to vector<2048x48xf32>
    %add3A_327 = arith.addf %dot_general3A_324, %add3A_326 : vector<2048x48xf32>
    %rsqrt3A_328 = math.rsqrt %add3A_327 : vector<2048x48xf32>
    %mul3A_329 = arith.mulf %sub3A_318, %rsqrt3A_328 : vector<2048x48xf32>
    %add3A_330 = arith.addf %add3A_205, %reshape3A_305 : vector<2048x128xf32>
    %slice3A_331 = vector.extract_strided_slice %get3A_194 {offsets = [112, 0], sizes = [48, 128], strides = [1, 1]} : vector<160x128xf32> to vector<48x128xf32>
    %dot_general3A_332 = arith.constant dense<0.000000e+00> : vector<2048x128xf32>
    %dot_general3A_333 = tpu.matmul %mul3A_329, %slice3A_331, %dot_general3A_332 {dimension_numbers = #tpu.dot_dimension_numbers<[1], [0], [0], [1], [0, 0, 1, 1], [], []>, transpose_lhs_hint = false} : vector<2048x48xf32>, vector<48x128xf32>, vector<2048x128xf32> -> vector<2048x128xf32>
    %add3A_334 = arith.addf %add3A_330, %dot_general3A_333 : vector<2048x128xf32>
    %mul3A_335 = arith.mulf %mul3A_27, %reshape3A_317 : vector<2048x1xf32>
    %gt3A_336 = arith.constant 0.000000e+00 : f32
    %gt3A_337 = vector.broadcast %gt3A_336 : f32 to vector<2048x1xf32>
    %gt3A_338 = arith.cmpf ogt, %mul3A_335, %gt3A_337 : vector<2048x1xf32>
    %convert_element_type3A_339 = arith.extui %gt3A_338 : vector<2048x1xi1> to vector<2048x1xi32>
    %convert_element_type3A_340 = arith.sitofp %convert_element_type3A_339 : vector<2048x1xi32> to vector<2048x1xf32>
    %slice3A_341 = vector.extract_strided_slice %add3A_334 {offsets = [0, 0], sizes = [2048, 64], strides = [1, 1]} : vector<2048x128xf32> to vector<2048x64xf32>
    %integer_pow3A_342 = arith.mulf %slice3A_341, %slice3A_341 : vector<2048x64xf32>
    %integer_pow3A_343 = arith.mulf %slice3A_341, %integer_pow3A_342 : vector<2048x64xf32>
    %mul3A_344 = arith.constant 4.471500e-02 : f32
    %mul3A_345 = vector.broadcast %mul3A_344 : f32 to vector<2048x64xf32>
    %mul3A_346 = arith.mulf %mul3A_345, %integer_pow3A_343 : vector<2048x64xf32>
    %add3A_347 = arith.addf %slice3A_341, %mul3A_346 : vector<2048x64xf32>
    %mul3A_348 = arith.constant 0.797884583 : f32
    %mul3A_349 = vector.broadcast %mul3A_348 : f32 to vector<2048x64xf32>
    %mul3A_350 = arith.mulf %mul3A_349, %add3A_347 : vector<2048x64xf32>
    %tanh3A_351 = math.tanh %mul3A_350 : vector<2048x64xf32>
    %add3A_352 = arith.constant 1.000000e+00 : f32
    %add3A_353 = vector.broadcast %add3A_352 : f32 to vector<2048x64xf32>
    %add3A_354 = arith.addf %add3A_353, %tanh3A_351 : vector<2048x64xf32>
    %mul3A_355 = arith.constant 5.000000e-01 : f32
    %mul3A_356 = vector.broadcast %mul3A_355 : f32 to vector<2048x64xf32>
    %mul3A_357 = arith.mulf %mul3A_356, %add3A_354 : vector<2048x64xf32>
    %mul3A_358 = arith.mulf %slice3A_341, %mul3A_357 : vector<2048x64xf32>
    %slice3A_359 = vector.extract_strided_slice %add3A_334 {offsets = [0, 64], sizes = [2048, 64], strides = [1, 1]} : vector<2048x128xf32> to vector<2048x64xf32>
    %mul3A_360 = arith.mulf %mul3A_358, %slice3A_359 : vector<2048x64xf32>
    %mul3A_361 = vector.broadcast %convert_element_type3A_340 : vector<2048x1xf32> to vector<2048x64xf32>
    %mul3A_362 = arith.mulf %mul3A_360, %mul3A_361 : vector<2048x64xf32>
    %add3A_363 = arith.addf %add3A_298, %mul3A_362 : vector<2048x64xf32>
    %add3A_364 = arith.addf %add3A_299, %mul3A_335 : vector<2048x1xf32>
    %slice3A_365 = vector.extract_strided_slice %reshape3A_231 {offsets = [0, 2, 0], sizes = [64, 1, 128], strides = [1, 1, 1]} : vector<64x8x128xf32> to vector<64x1x128xf32>
    %squeeze3A_366 = vector.shape_cast %slice3A_365 : vector<64x1x128xf32> to vector<64x128xf32>
    %broadcast_in_dim3A_367 = vector.shape_cast %squeeze3A_366 : vector<64x128xf32> to vector<64x1x128xf32>
    %broadcast_in_dim3A_368 = vector.shape_cast %broadcast_in_dim3A_367 : vector<64x1x128xf32> to vector<64x1x128xf32>
    %broadcast_in_dim3A_369 = vector.broadcast %broadcast_in_dim3A_368 : vector<64x1x128xf32> to vector<64x32x128xf32>
    %reshape3A_370 = vector.shape_cast %broadcast_in_dim3A_369 : vector<64x32x128xf32> to vector<2048x128xf32>
    %slice3A_371 = vector.extract_strided_slice %reshape3A_232 {offsets = [0, 2, 0], sizes = [64, 1, 48], strides = [1, 1, 1]} : vector<64x8x48xf32> to vector<64x1x48xf32>
    %squeeze3A_372 = vector.shape_cast %slice3A_371 : vector<64x1x48xf32> to vector<64x48xf32>
    %broadcast_in_dim3A_373 = vector.shape_cast %squeeze3A_372 : vector<64x48xf32> to vector<64x1x48xf32>
    %broadcast_in_dim3A_374 = vector.shape_cast %broadcast_in_dim3A_373 : vector<64x1x48xf32> to vector<64x1x48xf32>
    %broadcast_in_dim3A_375 = vector.broadcast %broadcast_in_dim3A_374 : vector<64x1x48xf32> to vector<64x32x48xf32>
    %reshape3A_376 = vector.shape_cast %broadcast_in_dim3A_375 : vector<64x32x48xf32> to vector<2048x48xf32>
    %slice3A_377 = vector.extract_strided_slice %slice3A_191 {offsets = [0, 2], sizes = [64, 1], strides = [1, 1]} : vector<64x8xf32> to vector<64x1xf32>
    %squeeze3A_378 = vector.shape_cast %slice3A_377 : vector<64x1xf32> to vector<64xf32>
    %broadcast_in_dim3A_379 = vector.shape_cast %squeeze3A_378 : vector<64xf32> to vector<64x1x1xf32>
    %broadcast_in_dim3A_380 = vector.shape_cast %broadcast_in_dim3A_379 : vector<64x1x1xf32> to vector<64x1x1xf32>
    %broadcast_in_dim3A_381 = vector.broadcast %broadcast_in_dim3A_380 : vector<64x1x1xf32> to vector<64x32x1xf32>
    %reshape3A_382 = vector.shape_cast %broadcast_in_dim3A_381 : vector<64x32x1xf32> to vector<2048x1xf32>
    %sub3A_383 = arith.subf %dot_general3A_230, %reshape3A_376 : vector<2048x48xf32>
    %mul3A_384 = arith.mulf %sub3A_383, %sub3A_383 : vector<2048x48xf32>
    %get3A_385 = arith.constant 0 : index
    %get3A_386 = arith.constant 0 : index
    %get3A_387 = vector.load %arg21[%get3A_385, %get3A_386] : memref<48x48xf32, #tpu.memory_space<vmem>>, vector<48x48xf32>
    %dot_general3A_388 = arith.constant dense<0.000000e+00> : vector<2048x48xf32>
    %dot_general3A_389 = tpu.matmul %mul3A_384, %get3A_387, %dot_general3A_388 {dimension_numbers = #tpu.dot_dimension_numbers<[1], [0], [0], [1], [0, 0, 1, 1], [], []>, transpose_lhs_hint = false} : vector<2048x48xf32>, vector<48x48xf32>, vector<2048x48xf32> -> vector<2048x48xf32>
    %add3A_390 = arith.constant 9.99999993E-9 : f32
    %add3A_391 = vector.broadcast %add3A_390 : f32 to vector<2048x48xf32>
    %add3A_392 = arith.addf %dot_general3A_389, %add3A_391 : vector<2048x48xf32>
    %rsqrt3A_393 = math.rsqrt %add3A_392 : vector<2048x48xf32>
    %mul3A_394 = arith.mulf %sub3A_383, %rsqrt3A_393 : vector<2048x48xf32>
    %add3A_395 = arith.addf %add3A_205, %reshape3A_370 : vector<2048x128xf32>
    %slice3A_396 = vector.extract_strided_slice %get3A_194 {offsets = [112, 0], sizes = [48, 128], strides = [1, 1]} : vector<160x128xf32> to vector<48x128xf32>
    %dot_general3A_397 = arith.constant dense<0.000000e+00> : vector<2048x128xf32>
    %dot_general3A_398 = tpu.matmul %mul3A_394, %slice3A_396, %dot_general3A_397 {dimension_numbers = #tpu.dot_dimension_numbers<[1], [0], [0], [1], [0, 0, 1, 1], [], []>, transpose_lhs_hint = false} : vector<2048x48xf32>, vector<48x128xf32>, vector<2048x128xf32> -> vector<2048x128xf32>
    %add3A_399 = arith.addf %add3A_395, %dot_general3A_398 : vector<2048x128xf32>
    %mul3A_400 = arith.mulf %mul3A_27, %reshape3A_382 : vector<2048x1xf32>
    %gt3A_401 = arith.constant 0.000000e+00 : f32
    %gt3A_402 = vector.broadcast %gt3A_401 : f32 to vector<2048x1xf32>
    %gt3A_403 = arith.cmpf ogt, %mul3A_400, %gt3A_402 : vector<2048x1xf32>
    %convert_element_type3A_404 = arith.extui %gt3A_403 : vector<2048x1xi1> to vector<2048x1xi32>
    %convert_element_type3A_405 = arith.sitofp %convert_element_type3A_404 : vector<2048x1xi32> to vector<2048x1xf32>
    %slice3A_406 = vector.extract_strided_slice %add3A_399 {offsets = [0, 0], sizes = [2048, 64], strides = [1, 1]} : vector<2048x128xf32> to vector<2048x64xf32>
    %integer_pow3A_407 = arith.mulf %slice3A_406, %slice3A_406 : vector<2048x64xf32>
    %integer_pow3A_408 = arith.mulf %slice3A_406, %integer_pow3A_407 : vector<2048x64xf32>
    %mul3A_409 = arith.constant 4.471500e-02 : f32
    %mul3A_410 = vector.broadcast %mul3A_409 : f32 to vector<2048x64xf32>
    %mul3A_411 = arith.mulf %mul3A_410, %integer_pow3A_408 : vector<2048x64xf32>
    %add3A_412 = arith.addf %slice3A_406, %mul3A_411 : vector<2048x64xf32>
    %mul3A_413 = arith.constant 0.797884583 : f32
    %mul3A_414 = vector.broadcast %mul3A_413 : f32 to vector<2048x64xf32>
    %mul3A_415 = arith.mulf %mul3A_414, %add3A_412 : vector<2048x64xf32>
    %tanh3A_416 = math.tanh %mul3A_415 : vector<2048x64xf32>
    %add3A_417 = arith.constant 1.000000e+00 : f32
    %add3A_418 = vector.broadcast %add3A_417 : f32 to vector<2048x64xf32>
    %add3A_419 = arith.addf %add3A_418, %tanh3A_416 : vector<2048x64xf32>
    %mul3A_420 = arith.constant 5.000000e-01 : f32
    %mul3A_421 = vector.broadcast %mul3A_420 : f32 to vector<2048x64xf32>
    %mul3A_422 = arith.mulf %mul3A_421, %add3A_419 : vector<2048x64xf32>
    %mul3A_423 = arith.mulf %slice3A_406, %mul3A_422 : vector<2048x64xf32>
    %slice3A_424 = vector.extract_strided_slice %add3A_399 {offsets = [0, 64], sizes = [2048, 64], strides = [1, 1]} : vector<2048x128xf32> to vector<2048x64xf32>
    %mul3A_425 = arith.mulf %mul3A_423, %slice3A_424 : vector<2048x64xf32>
    %mul3A_426 = vector.broadcast %convert_element_type3A_405 : vector<2048x1xf32> to vector<2048x64xf32>
    %mul3A_427 = arith.mulf %mul3A_425, %mul3A_426 : vector<2048x64xf32>
    %add3A_428 = arith.addf %add3A_363, %mul3A_427 : vector<2048x64xf32>
    %add3A_429 = arith.addf %add3A_364, %mul3A_400 : vector<2048x1xf32>
    %slice3A_430 = vector.extract_strided_slice %reshape3A_231 {offsets = [0, 3, 0], sizes = [64, 1, 128], strides = [1, 1, 1]} : vector<64x8x128xf32> to vector<64x1x128xf32>
    %squeeze3A_431 = vector.shape_cast %slice3A_430 : vector<64x1x128xf32> to vector<64x128xf32>
    %broadcast_in_dim3A_432 = vector.shape_cast %squeeze3A_431 : vector<64x128xf32> to vector<64x1x128xf32>
    %broadcast_in_dim3A_433 = vector.shape_cast %broadcast_in_dim3A_432 : vector<64x1x128xf32> to vector<64x1x128xf32>
    %broadcast_in_dim3A_434 = vector.broadcast %broadcast_in_dim3A_433 : vector<64x1x128xf32> to vector<64x32x128xf32>
    %reshape3A_435 = vector.shape_cast %broadcast_in_dim3A_434 : vector<64x32x128xf32> to vector<2048x128xf32>
    %slice3A_436 = vector.extract_strided_slice %reshape3A_232 {offsets = [0, 3, 0], sizes = [64, 1, 48], strides = [1, 1, 1]} : vector<64x8x48xf32> to vector<64x1x48xf32>
    %squeeze3A_437 = vector.shape_cast %slice3A_436 : vector<64x1x48xf32> to vector<64x48xf32>
    %broadcast_in_dim3A_438 = vector.shape_cast %squeeze3A_437 : vector<64x48xf32> to vector<64x1x48xf32>
    %broadcast_in_dim3A_439 = vector.shape_cast %broadcast_in_dim3A_438 : vector<64x1x48xf32> to vector<64x1x48xf32>
    %broadcast_in_dim3A_440 = vector.broadcast %broadcast_in_dim3A_439 : vector<64x1x48xf32> to vector<64x32x48xf32>
    %reshape3A_441 = vector.shape_cast %broadcast_in_dim3A_440 : vector<64x32x48xf32> to vector<2048x48xf32>
    %slice3A_442 = vector.extract_strided_slice %slice3A_191 {offsets = [0, 3], sizes = [64, 1], strides = [1, 1]} : vector<64x8xf32> to vector<64x1xf32>
    %squeeze3A_443 = vector.shape_cast %slice3A_442 : vector<64x1xf32> to vector<64xf32>
    %broadcast_in_dim3A_444 = vector.shape_cast %squeeze3A_443 : vector<64xf32> to vector<64x1x1xf32>
    %broadcast_in_dim3A_445 = vector.shape_cast %broadcast_in_dim3A_444 : vector<64x1x1xf32> to vector<64x1x1xf32>
    %broadcast_in_dim3A_446 = vector.broadcast %broadcast_in_dim3A_445 : vector<64x1x1xf32> to vector<64x32x1xf32>
    %reshape3A_447 = vector.shape_cast %broadcast_in_dim3A_446 : vector<64x32x1xf32> to vector<2048x1xf32>
    %sub3A_448 = arith.subf %dot_general3A_230, %reshape3A_441 : vector<2048x48xf32>
    %mul3A_449 = arith.mulf %sub3A_448, %sub3A_448 : vector<2048x48xf32>
    %get3A_450 = arith.constant 0 : index
    %get3A_451 = arith.constant 0 : index
    %get3A_452 = vector.load %arg21[%get3A_450, %get3A_451] : memref<48x48xf32, #tpu.memory_space<vmem>>, vector<48x48xf32>
    %dot_general3A_453 = arith.constant dense<0.000000e+00> : vector<2048x48xf32>
    %dot_general3A_454 = tpu.matmul %mul3A_449, %get3A_452, %dot_general3A_453 {dimension_numbers = #tpu.dot_dimension_numbers<[1], [0], [0], [1], [0, 0, 1, 1], [], []>, transpose_lhs_hint = false} : vector<2048x48xf32>, vector<48x48xf32>, vector<2048x48xf32> -> vector<2048x48xf32>
    %add3A_455 = arith.constant 9.99999993E-9 : f32
    %add3A_456 = vector.broadcast %add3A_455 : f32 to vector<2048x48xf32>
    %add3A_457 = arith.addf %dot_general3A_454, %add3A_456 : vector<2048x48xf32>
    %rsqrt3A_458 = math.rsqrt %add3A_457 : vector<2048x48xf32>
    %mul3A_459 = arith.mulf %sub3A_448, %rsqrt3A_458 : vector<2048x48xf32>
    %add3A_460 = arith.addf %add3A_205, %reshape3A_435 : vector<2048x128xf32>
    %slice3A_461 = vector.extract_strided_slice %get3A_194 {offsets = [112, 0], sizes = [48, 128], strides = [1, 1]} : vector<160x128xf32> to vector<48x128xf32>
    %dot_general3A_462 = arith.constant dense<0.000000e+00> : vector<2048x128xf32>
    %dot_general3A_463 = tpu.matmul %mul3A_459, %slice3A_461, %dot_general3A_462 {dimension_numbers = #tpu.dot_dimension_numbers<[1], [0], [0], [1], [0, 0, 1, 1], [], []>, transpose_lhs_hint = false} : vector<2048x48xf32>, vector<48x128xf32>, vector<2048x128xf32> -> vector<2048x128xf32>
    %add3A_464 = arith.addf %add3A_460, %dot_general3A_463 : vector<2048x128xf32>
    %mul3A_465 = arith.mulf %mul3A_27, %reshape3A_447 : vector<2048x1xf32>
    %gt3A_466 = arith.constant 0.000000e+00 : f32
    %gt3A_467 = vector.broadcast %gt3A_466 : f32 to vector<2048x1xf32>
    %gt3A_468 = arith.cmpf ogt, %mul3A_465, %gt3A_467 : vector<2048x1xf32>
    %convert_element_type3A_469 = arith.extui %gt3A_468 : vector<2048x1xi1> to vector<2048x1xi32>
    %convert_element_type3A_470 = arith.sitofp %convert_element_type3A_469 : vector<2048x1xi32> to vector<2048x1xf32>
    %slice3A_471 = vector.extract_strided_slice %add3A_464 {offsets = [0, 0], sizes = [2048, 64], strides = [1, 1]} : vector<2048x128xf32> to vector<2048x64xf32>
    %integer_pow3A_472 = arith.mulf %slice3A_471, %slice3A_471 : vector<2048x64xf32>
    %integer_pow3A_473 = arith.mulf %slice3A_471, %integer_pow3A_472 : vector<2048x64xf32>
    %mul3A_474 = arith.constant 4.471500e-02 : f32
    %mul3A_475 = vector.broadcast %mul3A_474 : f32 to vector<2048x64xf32>
    %mul3A_476 = arith.mulf %mul3A_475, %integer_pow3A_473 : vector<2048x64xf32>
    %add3A_477 = arith.addf %slice3A_471, %mul3A_476 : vector<2048x64xf32>
    %mul3A_478 = arith.constant 0.797884583 : f32
    %mul3A_479 = vector.broadcast %mul3A_478 : f32 to vector<2048x64xf32>
    %mul3A_480 = arith.mulf %mul3A_479, %add3A_477 : vector<2048x64xf32>
    %tanh3A_481 = math.tanh %mul3A_480 : vector<2048x64xf32>
    %add3A_482 = arith.constant 1.000000e+00 : f32
    %add3A_483 = vector.broadcast %add3A_482 : f32 to vector<2048x64xf32>
    %add3A_484 = arith.addf %add3A_483, %tanh3A_481 : vector<2048x64xf32>
    %mul3A_485 = arith.constant 5.000000e-01 : f32
    %mul3A_486 = vector.broadcast %mul3A_485 : f32 to vector<2048x64xf32>
    %mul3A_487 = arith.mulf %mul3A_486, %add3A_484 : vector<2048x64xf32>
    %mul3A_488 = arith.mulf %slice3A_471, %mul3A_487 : vector<2048x64xf32>
    %slice3A_489 = vector.extract_strided_slice %add3A_464 {offsets = [0, 64], sizes = [2048, 64], strides = [1, 1]} : vector<2048x128xf32> to vector<2048x64xf32>
    %mul3A_490 = arith.mulf %mul3A_488, %slice3A_489 : vector<2048x64xf32>
    %mul3A_491 = vector.broadcast %convert_element_type3A_470 : vector<2048x1xf32> to vector<2048x64xf32>
    %mul3A_492 = arith.mulf %mul3A_490, %mul3A_491 : vector<2048x64xf32>
    %add3A_493 = arith.addf %add3A_428, %mul3A_492 : vector<2048x64xf32>
    %add3A_494 = arith.addf %add3A_429, %mul3A_465 : vector<2048x1xf32>
    %slice3A_495 = vector.extract_strided_slice %reshape3A_231 {offsets = [0, 4, 0], sizes = [64, 1, 128], strides = [1, 1, 1]} : vector<64x8x128xf32> to vector<64x1x128xf32>
    %squeeze3A_496 = vector.shape_cast %slice3A_495 : vector<64x1x128xf32> to vector<64x128xf32>
    %broadcast_in_dim3A_497 = vector.shape_cast %squeeze3A_496 : vector<64x128xf32> to vector<64x1x128xf32>
    %broadcast_in_dim3A_498 = vector.shape_cast %broadcast_in_dim3A_497 : vector<64x1x128xf32> to vector<64x1x128xf32>
    %broadcast_in_dim3A_499 = vector.broadcast %broadcast_in_dim3A_498 : vector<64x1x128xf32> to vector<64x32x128xf32>
    %reshape3A_500 = vector.shape_cast %broadcast_in_dim3A_499 : vector<64x32x128xf32> to vector<2048x128xf32>
    %slice3A_501 = vector.extract_strided_slice %reshape3A_232 {offsets = [0, 4, 0], sizes = [64, 1, 48], strides = [1, 1, 1]} : vector<64x8x48xf32> to vector<64x1x48xf32>
    %squeeze3A_502 = vector.shape_cast %slice3A_501 : vector<64x1x48xf32> to vector<64x48xf32>
    %broadcast_in_dim3A_503 = vector.shape_cast %squeeze3A_502 : vector<64x48xf32> to vector<64x1x48xf32>
    %broadcast_in_dim3A_504 = vector.shape_cast %broadcast_in_dim3A_503 : vector<64x1x48xf32> to vector<64x1x48xf32>
    %broadcast_in_dim3A_505 = vector.broadcast %broadcast_in_dim3A_504 : vector<64x1x48xf32> to vector<64x32x48xf32>
    %reshape3A_506 = vector.shape_cast %broadcast_in_dim3A_505 : vector<64x32x48xf32> to vector<2048x48xf32>
    %slice3A_507 = vector.extract_strided_slice %slice3A_191 {offsets = [0, 4], sizes = [64, 1], strides = [1, 1]} : vector<64x8xf32> to vector<64x1xf32>
    %squeeze3A_508 = vector.shape_cast %slice3A_507 : vector<64x1xf32> to vector<64xf32>
    %broadcast_in_dim3A_509 = vector.shape_cast %squeeze3A_508 : vector<64xf32> to vector<64x1x1xf32>
    %broadcast_in_dim3A_510 = vector.shape_cast %broadcast_in_dim3A_509 : vector<64x1x1xf32> to vector<64x1x1xf32>
    %broadcast_in_dim3A_511 = vector.broadcast %broadcast_in_dim3A_510 : vector<64x1x1xf32> to vector<64x32x1xf32>
    %reshape3A_512 = vector.shape_cast %broadcast_in_dim3A_511 : vector<64x32x1xf32> to vector<2048x1xf32>
    %sub3A_513 = arith.subf %dot_general3A_230, %reshape3A_506 : vector<2048x48xf32>
    %mul3A_514 = arith.mulf %sub3A_513, %sub3A_513 : vector<2048x48xf32>
    %get3A_515 = arith.constant 0 : index
    %get3A_516 = arith.constant 0 : index
    %get3A_517 = vector.load %arg21[%get3A_515, %get3A_516] : memref<48x48xf32, #tpu.memory_space<vmem>>, vector<48x48xf32>
    %dot_general3A_518 = arith.constant dense<0.000000e+00> : vector<2048x48xf32>
    %dot_general3A_519 = tpu.matmul %mul3A_514, %get3A_517, %dot_general3A_518 {dimension_numbers = #tpu.dot_dimension_numbers<[1], [0], [0], [1], [0, 0, 1, 1], [], []>, transpose_lhs_hint = false} : vector<2048x48xf32>, vector<48x48xf32>, vector<2048x48xf32> -> vector<2048x48xf32>
    %add3A_520 = arith.constant 9.99999993E-9 : f32
    %add3A_521 = vector.broadcast %add3A_520 : f32 to vector<2048x48xf32>
    %add3A_522 = arith.addf %dot_general3A_519, %add3A_521 : vector<2048x48xf32>
    %rsqrt3A_523 = math.rsqrt %add3A_522 : vector<2048x48xf32>
    %mul3A_524 = arith.mulf %sub3A_513, %rsqrt3A_523 : vector<2048x48xf32>
    %add3A_525 = arith.addf %add3A_205, %reshape3A_500 : vector<2048x128xf32>
    %slice3A_526 = vector.extract_strided_slice %get3A_194 {offsets = [112, 0], sizes = [48, 128], strides = [1, 1]} : vector<160x128xf32> to vector<48x128xf32>
    %dot_general3A_527 = arith.constant dense<0.000000e+00> : vector<2048x128xf32>
    %dot_general3A_528 = tpu.matmul %mul3A_524, %slice3A_526, %dot_general3A_527 {dimension_numbers = #tpu.dot_dimension_numbers<[1], [0], [0], [1], [0, 0, 1, 1], [], []>, transpose_lhs_hint = false} : vector<2048x48xf32>, vector<48x128xf32>, vector<2048x128xf32> -> vector<2048x128xf32>
    %add3A_529 = arith.addf %add3A_525, %dot_general3A_528 : vector<2048x128xf32>
    %mul3A_530 = arith.mulf %mul3A_27, %reshape3A_512 : vector<2048x1xf32>
    %gt3A_531 = arith.constant 0.000000e+00 : f32
    %gt3A_532 = vector.broadcast %gt3A_531 : f32 to vector<2048x1xf32>
    %gt3A_533 = arith.cmpf ogt, %mul3A_530, %gt3A_532 : vector<2048x1xf32>
    %convert_element_type3A_534 = arith.extui %gt3A_533 : vector<2048x1xi1> to vector<2048x1xi32>
    %convert_element_type3A_535 = arith.sitofp %convert_element_type3A_534 : vector<2048x1xi32> to vector<2048x1xf32>
    %slice3A_536 = vector.extract_strided_slice %add3A_529 {offsets = [0, 0], sizes = [2048, 64], strides = [1, 1]} : vector<2048x128xf32> to vector<2048x64xf32>
    %integer_pow3A_537 = arith.mulf %slice3A_536, %slice3A_536 : vector<2048x64xf32>
    %integer_pow3A_538 = arith.mulf %slice3A_536, %integer_pow3A_537 : vector<2048x64xf32>
    %mul3A_539 = arith.constant 4.471500e-02 : f32
    %mul3A_540 = vector.broadcast %mul3A_539 : f32 to vector<2048x64xf32>
    %mul3A_541 = arith.mulf %mul3A_540, %integer_pow3A_538 : vector<2048x64xf32>
    %add3A_542 = arith.addf %slice3A_536, %mul3A_541 : vector<2048x64xf32>
    %mul3A_543 = arith.constant 0.797884583 : f32
    %mul3A_544 = vector.broadcast %mul3A_543 : f32 to vector<2048x64xf32>
    %mul3A_545 = arith.mulf %mul3A_544, %add3A_542 : vector<2048x64xf32>
    %tanh3A_546 = math.tanh %mul3A_545 : vector<2048x64xf32>
    %add3A_547 = arith.constant 1.000000e+00 : f32
    %add3A_548 = vector.broadcast %add3A_547 : f32 to vector<2048x64xf32>
    %add3A_549 = arith.addf %add3A_548, %tanh3A_546 : vector<2048x64xf32>
    %mul3A_550 = arith.constant 5.000000e-01 : f32
    %mul3A_551 = vector.broadcast %mul3A_550 : f32 to vector<2048x64xf32>
    %mul3A_552 = arith.mulf %mul3A_551, %add3A_549 : vector<2048x64xf32>
    %mul3A_553 = arith.mulf %slice3A_536, %mul3A_552 : vector<2048x64xf32>
    %slice3A_554 = vector.extract_strided_slice %add3A_529 {offsets = [0, 64], sizes = [2048, 64], strides = [1, 1]} : vector<2048x128xf32> to vector<2048x64xf32>
    %mul3A_555 = arith.mulf %mul3A_553, %slice3A_554 : vector<2048x64xf32>
    %mul3A_556 = vector.broadcast %convert_element_type3A_535 : vector<2048x1xf32> to vector<2048x64xf32>
    %mul3A_557 = arith.mulf %mul3A_555, %mul3A_556 : vector<2048x64xf32>
    %add3A_558 = arith.addf %add3A_493, %mul3A_557 : vector<2048x64xf32>
    %add3A_559 = arith.addf %add3A_494, %mul3A_530 : vector<2048x1xf32>
    %slice3A_560 = vector.extract_strided_slice %reshape3A_231 {offsets = [0, 5, 0], sizes = [64, 1, 128], strides = [1, 1, 1]} : vector<64x8x128xf32> to vector<64x1x128xf32>
    %squeeze3A_561 = vector.shape_cast %slice3A_560 : vector<64x1x128xf32> to vector<64x128xf32>
    %broadcast_in_dim3A_562 = vector.shape_cast %squeeze3A_561 : vector<64x128xf32> to vector<64x1x128xf32>
    %broadcast_in_dim3A_563 = vector.shape_cast %broadcast_in_dim3A_562 : vector<64x1x128xf32> to vector<64x1x128xf32>
    %broadcast_in_dim3A_564 = vector.broadcast %broadcast_in_dim3A_563 : vector<64x1x128xf32> to vector<64x32x128xf32>
    %reshape3A_565 = vector.shape_cast %broadcast_in_dim3A_564 : vector<64x32x128xf32> to vector<2048x128xf32>
    %slice3A_566 = vector.extract_strided_slice %reshape3A_232 {offsets = [0, 5, 0], sizes = [64, 1, 48], strides = [1, 1, 1]} : vector<64x8x48xf32> to vector<64x1x48xf32>
    %squeeze3A_567 = vector.shape_cast %slice3A_566 : vector<64x1x48xf32> to vector<64x48xf32>
    %broadcast_in_dim3A_568 = vector.shape_cast %squeeze3A_567 : vector<64x48xf32> to vector<64x1x48xf32>
    %broadcast_in_dim3A_569 = vector.shape_cast %broadcast_in_dim3A_568 : vector<64x1x48xf32> to vector<64x1x48xf32>
    %broadcast_in_dim3A_570 = vector.broadcast %broadcast_in_dim3A_569 : vector<64x1x48xf32> to vector<64x32x48xf32>
    %reshape3A_571 = vector.shape_cast %broadcast_in_dim3A_570 : vector<64x32x48xf32> to vector<2048x48xf32>
    %slice3A_572 = vector.extract_strided_slice %slice3A_191 {offsets = [0, 5], sizes = [64, 1], strides = [1, 1]} : vector<64x8xf32> to vector<64x1xf32>
    %squeeze3A_573 = vector.shape_cast %slice3A_572 : vector<64x1xf32> to vector<64xf32>
    %broadcast_in_dim3A_574 = vector.shape_cast %squeeze3A_573 : vector<64xf32> to vector<64x1x1xf32>
    %broadcast_in_dim3A_575 = vector.shape_cast %broadcast_in_dim3A_574 : vector<64x1x1xf32> to vector<64x1x1xf32>
    %broadcast_in_dim3A_576 = vector.broadcast %broadcast_in_dim3A_575 : vector<64x1x1xf32> to vector<64x32x1xf32>
    %reshape3A_577 = vector.shape_cast %broadcast_in_dim3A_576 : vector<64x32x1xf32> to vector<2048x1xf32>
    %sub3A_578 = arith.subf %dot_general3A_230, %reshape3A_571 : vector<2048x48xf32>
    %mul3A_579 = arith.mulf %sub3A_578, %sub3A_578 : vector<2048x48xf32>
    %get3A_580 = arith.constant 0 : index
    %get3A_581 = arith.constant 0 : index
    %get3A_582 = vector.load %arg21[%get3A_580, %get3A_581] : memref<48x48xf32, #tpu.memory_space<vmem>>, vector<48x48xf32>
    %dot_general3A_583 = arith.constant dense<0.000000e+00> : vector<2048x48xf32>
    %dot_general3A_584 = tpu.matmul %mul3A_579, %get3A_582, %dot_general3A_583 {dimension_numbers = #tpu.dot_dimension_numbers<[1], [0], [0], [1], [0, 0, 1, 1], [], []>, transpose_lhs_hint = false} : vector<2048x48xf32>, vector<48x48xf32>, vector<2048x48xf32> -> vector<2048x48xf32>
    %add3A_585 = arith.constant 9.99999993E-9 : f32
    %add3A_586 = vector.broadcast %add3A_585 : f32 to vector<2048x48xf32>
    %add3A_587 = arith.addf %dot_general3A_584, %add3A_586 : vector<2048x48xf32>
    %rsqrt3A_588 = math.rsqrt %add3A_587 : vector<2048x48xf32>
    %mul3A_589 = arith.mulf %sub3A_578, %rsqrt3A_588 : vector<2048x48xf32>
    %add3A_590 = arith.addf %add3A_205, %reshape3A_565 : vector<2048x128xf32>
    %slice3A_591 = vector.extract_strided_slice %get3A_194 {offsets = [112, 0], sizes = [48, 128], strides = [1, 1]} : vector<160x128xf32> to vector<48x128xf32>
    %dot_general3A_592 = arith.constant dense<0.000000e+00> : vector<2048x128xf32>
    %dot_general3A_593 = tpu.matmul %mul3A_589, %slice3A_591, %dot_general3A_592 {dimension_numbers = #tpu.dot_dimension_numbers<[1], [0], [0], [1], [0, 0, 1, 1], [], []>, transpose_lhs_hint = false} : vector<2048x48xf32>, vector<48x128xf32>, vector<2048x128xf32> -> vector<2048x128xf32>
    %add3A_594 = arith.addf %add3A_590, %dot_general3A_593 : vector<2048x128xf32>
    %mul3A_595 = arith.mulf %mul3A_27, %reshape3A_577 : vector<2048x1xf32>
    %gt3A_596 = arith.constant 0.000000e+00 : f32
    %gt3A_597 = vector.broadcast %gt3A_596 : f32 to vector<2048x1xf32>
    %gt3A_598 = arith.cmpf ogt, %mul3A_595, %gt3A_597 : vector<2048x1xf32>
    %convert_element_type3A_599 = arith.extui %gt3A_598 : vector<2048x1xi1> to vector<2048x1xi32>
    %convert_element_type3A_600 = arith.sitofp %convert_element_type3A_599 : vector<2048x1xi32> to vector<2048x1xf32>
    %slice3A_601 = vector.extract_strided_slice %add3A_594 {offsets = [0, 0], sizes = [2048, 64], strides = [1, 1]} : vector<2048x128xf32> to vector<2048x64xf32>
    %integer_pow3A_602 = arith.mulf %slice3A_601, %slice3A_601 : vector<2048x64xf32>
    %integer_pow3A_603 = arith.mulf %slice3A_601, %integer_pow3A_602 : vector<2048x64xf32>
    %mul3A_604 = arith.constant 4.471500e-02 : f32
    %mul3A_605 = vector.broadcast %mul3A_604 : f32 to vector<2048x64xf32>
    %mul3A_606 = arith.mulf %mul3A_605, %integer_pow3A_603 : vector<2048x64xf32>
    %add3A_607 = arith.addf %slice3A_601, %mul3A_606 : vector<2048x64xf32>
    %mul3A_608 = arith.constant 0.797884583 : f32
    %mul3A_609 = vector.broadcast %mul3A_608 : f32 to vector<2048x64xf32>
    %mul3A_610 = arith.mulf %mul3A_609, %add3A_607 : vector<2048x64xf32>
    %tanh3A_611 = math.tanh %mul3A_610 : vector<2048x64xf32>
    %add3A_612 = arith.constant 1.000000e+00 : f32
    %add3A_613 = vector.broadcast %add3A_612 : f32 to vector<2048x64xf32>
    %add3A_614 = arith.addf %add3A_613, %tanh3A_611 : vector<2048x64xf32>
    %mul3A_615 = arith.constant 5.000000e-01 : f32
    %mul3A_616 = vector.broadcast %mul3A_615 : f32 to vector<2048x64xf32>
    %mul3A_617 = arith.mulf %mul3A_616, %add3A_614 : vector<2048x64xf32>
    %mul3A_618 = arith.mulf %slice3A_601, %mul3A_617 : vector<2048x64xf32>
    %slice3A_619 = vector.extract_strided_slice %add3A_594 {offsets = [0, 64], sizes = [2048, 64], strides = [1, 1]} : vector<2048x128xf32> to vector<2048x64xf32>
    %mul3A_620 = arith.mulf %mul3A_618, %slice3A_619 : vector<2048x64xf32>
    %mul3A_621 = vector.broadcast %convert_element_type3A_600 : vector<2048x1xf32> to vector<2048x64xf32>
    %mul3A_622 = arith.mulf %mul3A_620, %mul3A_621 : vector<2048x64xf32>
    %add3A_623 = arith.addf %add3A_558, %mul3A_622 : vector<2048x64xf32>
    %add3A_624 = arith.addf %add3A_559, %mul3A_595 : vector<2048x1xf32>
    %slice3A_625 = vector.extract_strided_slice %reshape3A_231 {offsets = [0, 6, 0], sizes = [64, 1, 128], strides = [1, 1, 1]} : vector<64x8x128xf32> to vector<64x1x128xf32>
    %squeeze3A_626 = vector.shape_cast %slice3A_625 : vector<64x1x128xf32> to vector<64x128xf32>
    %broadcast_in_dim3A_627 = vector.shape_cast %squeeze3A_626 : vector<64x128xf32> to vector<64x1x128xf32>
    %broadcast_in_dim3A_628 = vector.shape_cast %broadcast_in_dim3A_627 : vector<64x1x128xf32> to vector<64x1x128xf32>
    %broadcast_in_dim3A_629 = vector.broadcast %broadcast_in_dim3A_628 : vector<64x1x128xf32> to vector<64x32x128xf32>
    %reshape3A_630 = vector.shape_cast %broadcast_in_dim3A_629 : vector<64x32x128xf32> to vector<2048x128xf32>
    %slice3A_631 = vector.extract_strided_slice %reshape3A_232 {offsets = [0, 6, 0], sizes = [64, 1, 48], strides = [1, 1, 1]} : vector<64x8x48xf32> to vector<64x1x48xf32>
    %squeeze3A_632 = vector.shape_cast %slice3A_631 : vector<64x1x48xf32> to vector<64x48xf32>
    %broadcast_in_dim3A_633 = vector.shape_cast %squeeze3A_632 : vector<64x48xf32> to vector<64x1x48xf32>
    %broadcast_in_dim3A_634 = vector.shape_cast %broadcast_in_dim3A_633 : vector<64x1x48xf32> to vector<64x1x48xf32>
    %broadcast_in_dim3A_635 = vector.broadcast %broadcast_in_dim3A_634 : vector<64x1x48xf32> to vector<64x32x48xf32>
    %reshape3A_636 = vector.shape_cast %broadcast_in_dim3A_635 : vector<64x32x48xf32> to vector<2048x48xf32>
    %slice3A_637 = vector.extract_strided_slice %slice3A_191 {offsets = [0, 6], sizes = [64, 1], strides = [1, 1]} : vector<64x8xf32> to vector<64x1xf32>
    %squeeze3A_638 = vector.shape_cast %slice3A_637 : vector<64x1xf32> to vector<64xf32>
    %broadcast_in_dim3A_639 = vector.shape_cast %squeeze3A_638 : vector<64xf32> to vector<64x1x1xf32>
    %broadcast_in_dim3A_640 = vector.shape_cast %broadcast_in_dim3A_639 : vector<64x1x1xf32> to vector<64x1x1xf32>
    %broadcast_in_dim3A_641 = vector.broadcast %broadcast_in_dim3A_640 : vector<64x1x1xf32> to vector<64x32x1xf32>
    %reshape3A_642 = vector.shape_cast %broadcast_in_dim3A_641 : vector<64x32x1xf32> to vector<2048x1xf32>
    %sub3A_643 = arith.subf %dot_general3A_230, %reshape3A_636 : vector<2048x48xf32>
    %mul3A_644 = arith.mulf %sub3A_643, %sub3A_643 : vector<2048x48xf32>
    %get3A_645 = arith.constant 0 : index
    %get3A_646 = arith.constant 0 : index
    %get3A_647 = vector.load %arg21[%get3A_645, %get3A_646] : memref<48x48xf32, #tpu.memory_space<vmem>>, vector<48x48xf32>
    %dot_general3A_648 = arith.constant dense<0.000000e+00> : vector<2048x48xf32>
    %dot_general3A_649 = tpu.matmul %mul3A_644, %get3A_647, %dot_general3A_648 {dimension_numbers = #tpu.dot_dimension_numbers<[1], [0], [0], [1], [0, 0, 1, 1], [], []>, transpose_lhs_hint = false} : vector<2048x48xf32>, vector<48x48xf32>, vector<2048x48xf32> -> vector<2048x48xf32>
    %add3A_650 = arith.constant 9.99999993E-9 : f32
    %add3A_651 = vector.broadcast %add3A_650 : f32 to vector<2048x48xf32>
    %add3A_652 = arith.addf %dot_general3A_649, %add3A_651 : vector<2048x48xf32>
    %rsqrt3A_653 = math.rsqrt %add3A_652 : vector<2048x48xf32>
    %mul3A_654 = arith.mulf %sub3A_643, %rsqrt3A_653 : vector<2048x48xf32>
    %add3A_655 = arith.addf %add3A_205, %reshape3A_630 : vector<2048x128xf32>
    %slice3A_656 = vector.extract_strided_slice %get3A_194 {offsets = [112, 0], sizes = [48, 128], strides = [1, 1]} : vector<160x128xf32> to vector<48x128xf32>
    %dot_general3A_657 = arith.constant dense<0.000000e+00> : vector<2048x128xf32>
    %dot_general3A_658 = tpu.matmul %mul3A_654, %slice3A_656, %dot_general3A_657 {dimension_numbers = #tpu.dot_dimension_numbers<[1], [0], [0], [1], [0, 0, 1, 1], [], []>, transpose_lhs_hint = false} : vector<2048x48xf32>, vector<48x128xf32>, vector<2048x128xf32> -> vector<2048x128xf32>
    %add3A_659 = arith.addf %add3A_655, %dot_general3A_658 : vector<2048x128xf32>
    %mul3A_660 = arith.mulf %mul3A_27, %reshape3A_642 : vector<2048x1xf32>
    %gt3A_661 = arith.constant 0.000000e+00 : f32
    %gt3A_662 = vector.broadcast %gt3A_661 : f32 to vector<2048x1xf32>
    %gt3A_663 = arith.cmpf ogt, %mul3A_660, %gt3A_662 : vector<2048x1xf32>
    %convert_element_type3A_664 = arith.extui %gt3A_663 : vector<2048x1xi1> to vector<2048x1xi32>
    %convert_element_type3A_665 = arith.sitofp %convert_element_type3A_664 : vector<2048x1xi32> to vector<2048x1xf32>
    %slice3A_666 = vector.extract_strided_slice %add3A_659 {offsets = [0, 0], sizes = [2048, 64], strides = [1, 1]} : vector<2048x128xf32> to vector<2048x64xf32>
    %integer_pow3A_667 = arith.mulf %slice3A_666, %slice3A_666 : vector<2048x64xf32>
    %integer_pow3A_668 = arith.mulf %slice3A_666, %integer_pow3A_667 : vector<2048x64xf32>
    %mul3A_669 = arith.constant 4.471500e-02 : f32
    %mul3A_670 = vector.broadcast %mul3A_669 : f32 to vector<2048x64xf32>
    %mul3A_671 = arith.mulf %mul3A_670, %integer_pow3A_668 : vector<2048x64xf32>
    %add3A_672 = arith.addf %slice3A_666, %mul3A_671 : vector<2048x64xf32>
    %mul3A_673 = arith.constant 0.797884583 : f32
    %mul3A_674 = vector.broadcast %mul3A_673 : f32 to vector<2048x64xf32>
    %mul3A_675 = arith.mulf %mul3A_674, %add3A_672 : vector<2048x64xf32>
    %tanh3A_676 = math.tanh %mul3A_675 : vector<2048x64xf32>
    %add3A_677 = arith.constant 1.000000e+00 : f32
    %add3A_678 = vector.broadcast %add3A_677 : f32 to vector<2048x64xf32>
    %add3A_679 = arith.addf %add3A_678, %tanh3A_676 : vector<2048x64xf32>
    %mul3A_680 = arith.constant 5.000000e-01 : f32
    %mul3A_681 = vector.broadcast %mul3A_680 : f32 to vector<2048x64xf32>
    %mul3A_682 = arith.mulf %mul3A_681, %add3A_679 : vector<2048x64xf32>
    %mul3A_683 = arith.mulf %slice3A_666, %mul3A_682 : vector<2048x64xf32>
    %slice3A_684 = vector.extract_strided_slice %add3A_659 {offsets = [0, 64], sizes = [2048, 64], strides = [1, 1]} : vector<2048x128xf32> to vector<2048x64xf32>
    %mul3A_685 = arith.mulf %mul3A_683, %slice3A_684 : vector<2048x64xf32>
    %mul3A_686 = vector.broadcast %convert_element_type3A_665 : vector<2048x1xf32> to vector<2048x64xf32>
    %mul3A_687 = arith.mulf %mul3A_685, %mul3A_686 : vector<2048x64xf32>
    %add3A_688 = arith.addf %add3A_623, %mul3A_687 : vector<2048x64xf32>
    %add3A_689 = arith.addf %add3A_624, %mul3A_660 : vector<2048x1xf32>
    %slice3A_690 = vector.extract_strided_slice %reshape3A_231 {offsets = [0, 7, 0], sizes = [64, 1, 128], strides = [1, 1, 1]} : vector<64x8x128xf32> to vector<64x1x128xf32>
    %squeeze3A_691 = vector.shape_cast %slice3A_690 : vector<64x1x128xf32> to vector<64x128xf32>
    %broadcast_in_dim3A_692 = vector.shape_cast %squeeze3A_691 : vector<64x128xf32> to vector<64x1x128xf32>
    %broadcast_in_dim3A_693 = vector.shape_cast %broadcast_in_dim3A_692 : vector<64x1x128xf32> to vector<64x1x128xf32>
    %broadcast_in_dim3A_694 = vector.broadcast %broadcast_in_dim3A_693 : vector<64x1x128xf32> to vector<64x32x128xf32>
    %reshape3A_695 = vector.shape_cast %broadcast_in_dim3A_694 : vector<64x32x128xf32> to vector<2048x128xf32>
    %slice3A_696 = vector.extract_strided_slice %reshape3A_232 {offsets = [0, 7, 0], sizes = [64, 1, 48], strides = [1, 1, 1]} : vector<64x8x48xf32> to vector<64x1x48xf32>
    %squeeze3A_697 = vector.shape_cast %slice3A_696 : vector<64x1x48xf32> to vector<64x48xf32>
    %broadcast_in_dim3A_698 = vector.shape_cast %squeeze3A_697 : vector<64x48xf32> to vector<64x1x48xf32>
    %broadcast_in_dim3A_699 = vector.shape_cast %broadcast_in_dim3A_698 : vector<64x1x48xf32> to vector<64x1x48xf32>
    %broadcast_in_dim3A_700 = vector.broadcast %broadcast_in_dim3A_699 : vector<64x1x48xf32> to vector<64x32x48xf32>
    %reshape3A_701 = vector.shape_cast %broadcast_in_dim3A_700 : vector<64x32x48xf32> to vector<2048x48xf32>
    %slice3A_702 = vector.extract_strided_slice %slice3A_191 {offsets = [0, 7], sizes = [64, 1], strides = [1, 1]} : vector<64x8xf32> to vector<64x1xf32>
    %squeeze3A_703 = vector.shape_cast %slice3A_702 : vector<64x1xf32> to vector<64xf32>
    %broadcast_in_dim3A_704 = vector.shape_cast %squeeze3A_703 : vector<64xf32> to vector<64x1x1xf32>
    %broadcast_in_dim3A_705 = vector.shape_cast %broadcast_in_dim3A_704 : vector<64x1x1xf32> to vector<64x1x1xf32>
    %broadcast_in_dim3A_706 = vector.broadcast %broadcast_in_dim3A_705 : vector<64x1x1xf32> to vector<64x32x1xf32>
    %reshape3A_707 = vector.shape_cast %broadcast_in_dim3A_706 : vector<64x32x1xf32> to vector<2048x1xf32>
    %sub3A_708 = arith.subf %dot_general3A_230, %reshape3A_701 : vector<2048x48xf32>
    %mul3A_709 = arith.mulf %sub3A_708, %sub3A_708 : vector<2048x48xf32>
    %get3A_710 = arith.constant 0 : index
    %get3A_711 = arith.constant 0 : index
    %get3A_712 = vector.load %arg21[%get3A_710, %get3A_711] : memref<48x48xf32, #tpu.memory_space<vmem>>, vector<48x48xf32>
    %dot_general3A_713 = arith.constant dense<0.000000e+00> : vector<2048x48xf32>
    %dot_general3A_714 = tpu.matmul %mul3A_709, %get3A_712, %dot_general3A_713 {dimension_numbers = #tpu.dot_dimension_numbers<[1], [0], [0], [1], [0, 0, 1, 1], [], []>, transpose_lhs_hint = false} : vector<2048x48xf32>, vector<48x48xf32>, vector<2048x48xf32> -> vector<2048x48xf32>
    %add3A_715 = arith.constant 9.99999993E-9 : f32
    %add3A_716 = vector.broadcast %add3A_715 : f32 to vector<2048x48xf32>
    %add3A_717 = arith.addf %dot_general3A_714, %add3A_716 : vector<2048x48xf32>
    %rsqrt3A_718 = math.rsqrt %add3A_717 : vector<2048x48xf32>
    %mul3A_719 = arith.mulf %sub3A_708, %rsqrt3A_718 : vector<2048x48xf32>
    %add3A_720 = arith.addf %add3A_205, %reshape3A_695 : vector<2048x128xf32>
    %slice3A_721 = vector.extract_strided_slice %get3A_194 {offsets = [112, 0], sizes = [48, 128], strides = [1, 1]} : vector<160x128xf32> to vector<48x128xf32>
    %dot_general3A_722 = arith.constant dense<0.000000e+00> : vector<2048x128xf32>
    %dot_general3A_723 = tpu.matmul %mul3A_719, %slice3A_721, %dot_general3A_722 {dimension_numbers = #tpu.dot_dimension_numbers<[1], [0], [0], [1], [0, 0, 1, 1], [], []>, transpose_lhs_hint = false} : vector<2048x48xf32>, vector<48x128xf32>, vector<2048x128xf32> -> vector<2048x128xf32>
    %add3A_724 = arith.addf %add3A_720, %dot_general3A_723 : vector<2048x128xf32>
    %mul3A_725 = arith.mulf %mul3A_27, %reshape3A_707 : vector<2048x1xf32>
    %gt3A_726 = arith.constant 0.000000e+00 : f32
    %gt3A_727 = vector.broadcast %gt3A_726 : f32 to vector<2048x1xf32>
    %gt3A_728 = arith.cmpf ogt, %mul3A_725, %gt3A_727 : vector<2048x1xf32>
    %convert_element_type3A_729 = arith.extui %gt3A_728 : vector<2048x1xi1> to vector<2048x1xi32>
    %convert_element_type3A_730 = arith.sitofp %convert_element_type3A_729 : vector<2048x1xi32> to vector<2048x1xf32>
    %slice3A_731 = vector.extract_strided_slice %add3A_724 {offsets = [0, 0], sizes = [2048, 64], strides = [1, 1]} : vector<2048x128xf32> to vector<2048x64xf32>
    %integer_pow3A_732 = arith.mulf %slice3A_731, %slice3A_731 : vector<2048x64xf32>
    %integer_pow3A_733 = arith.mulf %slice3A_731, %integer_pow3A_732 : vector<2048x64xf32>
    %mul3A_734 = arith.constant 4.471500e-02 : f32
    %mul3A_735 = vector.broadcast %mul3A_734 : f32 to vector<2048x64xf32>
    %mul3A_736 = arith.mulf %mul3A_735, %integer_pow3A_733 : vector<2048x64xf32>
    %add3A_737 = arith.addf %slice3A_731, %mul3A_736 : vector<2048x64xf32>
    %mul3A_738 = arith.constant 0.797884583 : f32
    %mul3A_739 = vector.broadcast %mul3A_738 : f32 to vector<2048x64xf32>
    %mul3A_740 = arith.mulf %mul3A_739, %add3A_737 : vector<2048x64xf32>
    %tanh3A_741 = math.tanh %mul3A_740 : vector<2048x64xf32>
    %add3A_742 = arith.constant 1.000000e+00 : f32
    %add3A_743 = vector.broadcast %add3A_742 : f32 to vector<2048x64xf32>
    %add3A_744 = arith.addf %add3A_743, %tanh3A_741 : vector<2048x64xf32>
    %mul3A_745 = arith.constant 5.000000e-01 : f32
    %mul3A_746 = vector.broadcast %mul3A_745 : f32 to vector<2048x64xf32>
    %mul3A_747 = arith.mulf %mul3A_746, %add3A_744 : vector<2048x64xf32>
    %mul3A_748 = arith.mulf %slice3A_731, %mul3A_747 : vector<2048x64xf32>
    %slice3A_749 = vector.extract_strided_slice %add3A_724 {offsets = [0, 64], sizes = [2048, 64], strides = [1, 1]} : vector<2048x128xf32> to vector<2048x64xf32>
    %mul3A_750 = arith.mulf %mul3A_748, %slice3A_749 : vector<2048x64xf32>
    %mul3A_751 = vector.broadcast %convert_element_type3A_730 : vector<2048x1xf32> to vector<2048x64xf32>
    %mul3A_752 = arith.mulf %mul3A_750, %mul3A_751 : vector<2048x64xf32>
    %add3A_753 = arith.addf %add3A_688, %mul3A_752 : vector<2048x64xf32>
    %add3A_754 = arith.addf %add3A_689, %mul3A_725 : vector<2048x1xf32>
    %max3A = arith.constant 1.000000e+00 : f32
    %max3A_755 = vector.broadcast %max3A : f32 to vector<2048x1xf32>
    %max3A_756 = arith.maximumf %add3A_754, %max3A_755 : vector<2048x1xf32>
    %div3A_757 = arith.constant 1.000000e+00 : f32
    %div3A_758 = vector.broadcast %div3A_757 : f32 to vector<2048x1xf32>
    %div3A_759 = arith.divf %div3A_758, %max3A_756 : vector<2048x1xf32>
    %get3A_760 = arith.constant 0 : index
    %get3A_761 = arith.constant 0 : index
    %get3A_762 = vector.load %arg13[%get3A_760, %get3A_761] : memref<64x64xf32, #tpu.memory_space<vmem>>, vector<64x64xf32>
    %dot_general3A_763 = arith.constant dense<0.000000e+00> : vector<2048x64xf32>
    %dot_general3A_764 = tpu.matmul %add3A_753, %get3A_762, %dot_general3A_763 {dimension_numbers = #tpu.dot_dimension_numbers<[1], [0], [0], [1], [0, 0, 1, 1], [], []>, transpose_lhs_hint = false} : vector<2048x64xf32>, vector<64x64xf32>, vector<2048x64xf32> -> vector<2048x64xf32>
    %mul3A_765 = vector.broadcast %div3A_759 : vector<2048x1xf32> to vector<2048x64xf32>
    %mul3A_766 = arith.mulf %dot_general3A_764, %mul3A_765 : vector<2048x64xf32>
    %add3A_767 = arith.addf %add3A_104, %mul3A_766 : vector<2048x64xf32>
    %reshape3A_768 = vector.shape_cast %add3A_767 : vector<2048x64xf32> to vector<64x32x64xf32>
    %swap3A = arith.constant 0 : index
    %swap3A_769 = arith.constant 0 : index
    %swap3A_770 = arith.constant 0 : index
    %swap3A_771 = vector.load %arg25[%swap3A, %swap3A_769, %swap3A_770] : memref<64x32x64xf32, #tpu.memory_space<vmem>>, vector<64x32x64xf32>
    tpu.vector_store %arg25[%swap3A, %swap3A_769, %swap3A_770], %reshape3A_768 {strides = array<i32>} : memref<64x32x64xf32, #tpu.memory_space<vmem>>, vector<64x32x64xf32>,
    return
  }
  func.func @transform_0(%arg0: i32) -> (i32, i32, i32) {
    %c0_i32 = arith.constant 0 : i32
    %c0_i32_0 = arith.constant 0 : i32
    %c0_i32_1 = arith.constant 0 : i32
    return %arg0, %c0_i32, %c0_i32_0 : i32, i32, i32
  }
  func.func @transform_1(%arg0: i32) -> (i32, i32) {
    %c0_i32 = arith.constant 0 : i32
    %c0_i32_0 = arith.constant 0 : i32
    return %arg0, %c0_i32 : i32, i32
  }
  func.func @transform_2(%arg0: i32) -> (i32, i32) {
    %c0_i32 = arith.constant 0 : i32
    %c0_i32_0 = arith.constant 0 : i32
    return %arg0, %c0_i32 : i32, i32
  }
  func.func @transform_3(%arg0: i32) -> (i32, i32) {
    %c0_i32 = arith.constant 0 : i32
    %c0_i32_0 = arith.constant 0 : i32
    return %arg0, %c0_i32 : i32, i32
  }
  func.func @transform_4(%arg0: i32) -> (i32, i32) {
    %c0_i32 = arith.constant 0 : i32
    %c0_i32_0 = arith.constant 0 : i32
    %c0_i32_1 = arith.constant 0 : i32
    return %c0_i32, %c0_i32_0 : i32, i32
  }
  func.func @transform_5(%arg0: i32) -> (i32, i32) {
    %c0_i32 = arith.constant 0 : i32
    %c0_i32_0 = arith.constant 0 : i32
    %c0_i32_1 = arith.constant 0 : i32
    return %c0_i32, %c0_i32_0 : i32, i32
  }
  func.func @transform_6(%arg0: i32) -> (i32, i32) {
    %c0_i32 = arith.constant 0 : i32
    %c0_i32_0 = arith.constant 0 : i32
    %c0_i32_1 = arith.constant 0 : i32
    return %c0_i32, %c0_i32_0 : i32, i32
  }
  func.func @transform_7(%arg0: i32) -> (i32, i32) {
    %c0_i32 = arith.constant 0 : i32
    %c0_i32_0 = arith.constant 0 : i32
    %c0_i32_1 = arith.constant 0 : i32
    return %c0_i32, %c0_i32_0 : i32, i32
  }
  func.func @transform_8(%arg0: i32) -> (i32, i32) {
    %c0_i32 = arith.constant 0 : i32
    %c0_i32_0 = arith.constant 0 : i32
    %c0_i32_1 = arith.constant 0 : i32
    return %c0_i32, %c0_i32_0 : i32, i32
  }
  func.func @transform_9(%arg0: i32) -> (i32, i32) {
    %c0_i32 = arith.constant 0 : i32
    %c0_i32_0 = arith.constant 0 : i32
    %c0_i32_1 = arith.constant 0 : i32
    return %c0_i32, %c0_i32_0 : i32, i32
  }
  func.func @transform_10(%arg0: i32) -> (i32, i32) {
    %c0_i32 = arith.constant 0 : i32
    %c0_i32_0 = arith.constant 0 : i32
    %c0_i32_1 = arith.constant 0 : i32
    return %c0_i32, %c0_i32_0 : i32, i32
  }
  func.func @transform_11(%arg0: i32) -> (i32, i32) {
    %c0_i32 = arith.constant 0 : i32
    %c0_i32_0 = arith.constant 0 : i32
    %c0_i32_1 = arith.constant 0 : i32
    return %c0_i32, %c0_i32_0 : i32, i32
  }
  func.func @transform_12(%arg0: i32) -> (i32, i32) {
    %c0_i32 = arith.constant 0 : i32
    %c0_i32_0 = arith.constant 0 : i32
    %c0_i32_1 = arith.constant 0 : i32
    return %c0_i32, %c0_i32_0 : i32, i32
  }
  func.func @transform_13(%arg0: i32) -> (i32, i32) {
    %c0_i32 = arith.constant 0 : i32
    %c0_i32_0 = arith.constant 0 : i32
    %c0_i32_1 = arith.constant 0 : i32
    return %c0_i32, %c0_i32_0 : i32, i32
  }
  func.func @transform_14(%arg0: i32) -> (i32, i32) {
    %c0_i32 = arith.constant 0 : i32
    %c0_i32_0 = arith.constant 0 : i32
    %c0_i32_1 = arith.constant 0 : i32
    return %c0_i32, %c0_i32_0 : i32, i32
  }
  func.func @transform_15(%arg0: i32) -> (i32, i32) {
    %c0_i32 = arith.constant 0 : i32
    %c0_i32_0 = arith.constant 0 : i32
    %c0_i32_1 = arith.constant 0 : i32
    return %c0_i32, %c0_i32_0 : i32, i32
  }
  func.func @transform_16(%arg0: i32) -> (i32, i32) {
    %c0_i32 = arith.constant 0 : i32
    %c0_i32_0 = arith.constant 0 : i32
    %c0_i32_1 = arith.constant 0 : i32
    return %c0_i32, %c0_i32_0 : i32, i32
  }
  func.func @transform_17(%arg0: i32) -> (i32, i32) {
    %c0_i32 = arith.constant 0 : i32
    %c0_i32_0 = arith.constant 0 : i32
    %c0_i32_1 = arith.constant 0 : i32
    return %c0_i32, %c0_i32_0 : i32, i32
  }
  func.func @transform_18(%arg0: i32) -> (i32, i32) {
    %c0_i32 = arith.constant 0 : i32
    %c0_i32_0 = arith.constant 0 : i32
    %c0_i32_1 = arith.constant 0 : i32
    return %c0_i32, %c0_i32_0 : i32, i32
  }
  func.func @transform_19(%arg0: i32) -> (i32, i32) {
    %c0_i32 = arith.constant 0 : i32
    %c0_i32_0 = arith.constant 0 : i32
    %c0_i32_1 = arith.constant 0 : i32
    return %c0_i32, %c0_i32_0 : i32, i32
  }
  func.func @transform_20(%arg0: i32) -> (i32, i32) {
    %c0_i32 = arith.constant 0 : i32
    %c0_i32_0 = arith.constant 0 : i32
    %c0_i32_1 = arith.constant 0 : i32
    return %c0_i32, %c0_i32_0 : i32, i32
  }
  func.func @transform_21(%arg0: i32) -> (i32, i32) {
    %c0_i32 = arith.constant 0 : i32
    %c0_i32_0 = arith.constant 0 : i32
    %c0_i32_1 = arith.constant 0 : i32
    return %c0_i32, %c0_i32_0 : i32, i32
  }
  func.func @transform_22(%arg0: i32) -> (i32, i32) {
    %c0_i32 = arith.constant 0 : i32
    %c0_i32_0 = arith.constant 0 : i32
    %c0_i32_1 = arith.constant 0 : i32
    return %c0_i32, %c0_i32_0 : i32, i32
  }
  func.func @transform_23(%arg0: i32) -> (i32, i32) {
    %c0_i32 = arith.constant 0 : i32
    %c0_i32_0 = arith.constant 0 : i32
    %c0_i32_1 = arith.constant 0 : i32
    return %c0_i32, %c0_i32_0 : i32, i32
  }
  func.func @transform_24(%arg0: i32) -> (i32, i32, i32) {
    %c0_i32 = arith.constant 0 : i32
    %c0_i32_0 = arith.constant 0 : i32
    %c0_i32_1 = arith.constant 0 : i32
    return %arg0, %c0_i32, %c0_i32_0 : i32, i32, i32
  }
}

</mosaic_0001>

<sc_bundles>
// kernel: kernel.5.cloned.1.call-start
scs
__scs_entry_jumppad:
0x0: {  	(pc) =	sbr.rel $0x88, $3  }
0x1: {  	(tag) =	ssettag $0x0;
	lr =	simm.s32 $0x1  }
0x2: {  	[smem:$0x3F89] =	sst lr;
	_ =	strace $0xD0000000  }
0x3: {  	_ = 	snop  }
0x4: {  	_ = 	snop  }
0x5: {  	_ = 	snop  }
0x6: {  	_ = 	snop  }
0x7: {  	_ = 	snop  }
__scs_overlays_trampoline_lowered:
0x8: {  	[smem:$0x3F98] =	sst s0  }
0x9: {  	[smem:$0x3F99] =	sst s1  }
0xa: {  	[smem:$0x3F9A] =	sst s2  }
0xb: {  	[smem:$0x3F9B] =	sst s3  }
0xc: {  	[smem:$0x3F9C] =	sst s4  }
0xd: {  	[smem:$0x3F9D] =	sst s5  }
0xe: {  	[smem:$0x3F9E] =	sst s6  }
0xf: {  	[smem:$0x3F9F] =	sst s7  }
0x10: {  	[smem:$0x3FA0] =	sst s8  }
0x11: {  	[smem:$0x3FA1] =	sst s9;
	s0 =	simm.s32 @!p0 $0x0  }
0x12: {  	s1 =	sld [smem:$0x3F87];
	s0 =	simm.s32 @p0 $0x1  }
0x13: {  	[smem:$0x3FA2] =	sst s0;
	s0 =	simm.s32 @!p1 $0x0  }
0x14: {  	s2 =	sld [smem:$0x3F86];
	s0 =	simm.s32 @p1 $0x1  }
0x15: {  	[smem:$0x3FA3] =	sst s0;
	s0 =	simm.s32 @!p2 $0x0  }
0x16: {  	s3 =	sld [smem:$0x3FDB];
	s0 =	simm.s32 @p2 $0x1  }
0x17: {  	s4 =	simm.s32 $0x1BF5;
	[smem:$0x3FA5] =	sst s0  }
0x18: {  	s0 =	sld [smem:$0x3F88];
	_ =	swait.ge [sflag:s4], $0x0  }
0x19: {  	s7 =	sld [smem:$0x3F89]  }
0x1a: {  	s8 =	sadd.s32 $0xFFFFE003, lr  }
0x1b: {  	s9 =	sadd.s32 $0xFFFFFEF7, lr;
	s5 =	simm.s32 $0xFFFFFFFF;
	p2 =	slt.u32 s8, $0xFFFFF086  }
0x1c: {  	p1 =	slt.u32 s9, $0xF7A;
	s5 =	simm.s32 @!p2 $0x0  }
0x1d: {  	s5 =	simm.s32 @p1 $0x1;
	p0 =	seq.s32 s7, s2  }
0x1e: {  	s7 =	smul.u32 @!p0 $0xF7A, s2;
	p2 =	seq.s32 @!p0 s5, $0x0  }
0x1f: {  	s9 =	smul.u32 $0xF7A, s1;
	s8 =	simm.s32 @!p0 $0x1BF5;
	p2 =	por !p2, p0  }
0x20: {  	[sflag:s8] =	ssyncset.s32 @!p0 $0xFFFFF086;
	s6 =	sadd.s32 @!p0 s3, s7;
	s7 =	simm.s32 @!p0 $0x108  }
0x21: {  	s3 =	sadd.s32 s3, s9;
	s6 =	sadd.s32 @!p0 $0x88, s6;
	s7 =	simm.s32 @p2 $0x1082  }
0x22: {  	[simem:s7], [sflag:s8] =	dma.local @!p0 [hbm:s6], $0xF7A  }
0x23: {  	s9 =	sor.u32 $0xD0000000, s2;
	s6 =	simm.s32 $0x108;
	_ =	swait.ge @!p0 [sflag:s8], $0x0  }
0x24: {  	s3 =	sadd.s32 $0x88, s3;
	s6 =	simm.s32 @!p1 $0x1082;
	[sflag:s4] =	ssyncset.s32 $0xFFFFF086  }
0x25: {  	[simem:s6], [sflag:s4] =	dma.local [hbm:s3], $0xF7A  }
0x26: {  	[smem:$0x3F89] =	sst s1;
	(tag) =	ssettag s2;
	_ =	strace s9  }
0x27: {  	s1 =	sld [smem:$0x3F99]  }
0x28: {  	s2 =	sld [smem:$0x3F9A]  }
0x29: {  	s4 =	sld [smem:$0x3F9C]  }
0x2a: {  	p0 =	seq.s32 s5, $0x0;
	s5 =	sld [smem:$0x3F9D]  }
0x2b: {  	s6 =	sld [smem:$0x3F9E]  }
0x2c: {  	s7 =	sld [smem:$0x3F9F]  }
0x2d: {  	s3 =	simm.s32 $0x108;
	s8 =	sld [smem:$0x3FA0]  }
0x2e: {  	s3 =	simm.s32 @!p0 $0x1082;
	s9 =	sld [smem:$0x3FA1]  }
0x2f: {  	lr =	sadd.s32 s0, s3;
	s0 =	sld [smem:$0x3F98]  }
0x30: {  	s3 =	sld [smem:$0x3F9B]  }
0x31: {  	[smem:$0x3FA4] =	sst s10  }
0x32: {  	s10 =	sld [smem:$0x3FA2];
	_ =	sdelay $0x3  }
0x33: {  	p0 =	seq.s32 s10, $0x1;
	s10 =	sld [smem:$0x3FA4];
	_ =	sdelay $0x3  }
0x34: {  	[smem:$0x3FA4] =	sst s10  }
0x35: {  	s10 =	sld [smem:$0x3FA3];
	_ =	sdelay $0x3  }
0x36: {  	p1 =	seq.s32 s10, $0x1;
	s10 =	sld [smem:$0x3FA4];
	_ =	sdelay $0x3  }
0x37: {  	[smem:$0x3FA4] =	sst s10  }
0x38: {  	s10 =	sld [smem:$0x3FA5]  }
0x39: {  	_ = 	snop;
	(pc) =	sbr.ind lr, $3  }
0x3a: {  	_ = 	snop  }
0x3b: {  	_ = 	snop  }
0x3c: {  	p2 =	seq.s32 s10, $0x1;
	s10 =	sld [smem:$0x3FA4]  }
0x3d: {  	_ =	shalt  }
0x3e: {  	_ =	shalt  }
0x3f: {  	_ =	shalt  }
0x40: {  	_ =	shalt  }
0x41: {  	_ =	shalt  }
0x42: {  	_ =	shalt  }
0x43: {  	_ =	shalt  }
0x44: {  	_ =	shalt  }
0x45: {  	_ =	shalt  }
0x46: {  	_ =	shalt  }
0x47: {  	_ =	shalt  }
0x48: {  	_ =	shalt  }
0x49: {  	_ =	shalt  }
0x4a: {  	_ =	shalt  }
0x4b: {  	_ =	shalt  }
0x4c: {  	_ =	shalt  }
0x4d: {  	_ =	shalt  }
0x4e: {  	_ =	shalt  }
0x4f: {  	_ =	shalt  }
0x50: {  	_ =	shalt  }
0x51: {  	_ =	shalt  }
0x52: {  	_ =	shalt  }
0x53: {  	_ =	shalt  }
0x54: {  	_ =	shalt  }
0x55: {  	_ =	shalt  }
0x56: {  	_ =	shalt  }
0x57: {  	_ =	shalt  }
0x58: {  	_ =	shalt  }
0x59: {  	_ =	shalt  }
0x5a: {  	_ =	shalt  }
0x5b: {  	_ =	shalt  }
0x5c: {  	_ =	shalt  }
0x5d: {  	_ =	shalt  }
0x5e: {  	_ =	shalt  }
0x5f: {  	_ =	shalt  }
0x60: {  	_ =	shalt  }
0x61: {  	_ =	shalt  }
0x62: {  	_ =	shalt  }
0x63: {  	_ =	shalt  }
0x64: {  	_ =	shalt  }
0x65: {  	_ =	shalt  }
0x66: {  	_ =	shalt  }
0x67: {  	_ =	shalt  }
0x68: {  	_ =	shalt  }
0x69: {  	_ =	shalt  }
0x6a: {  	_ =	shalt  }
0x6b: {  	_ =	shalt  }
0x6c: {  	_ =	shalt  }
0x6d: {  	_ =	shalt  }
0x6e: {  	_ =	shalt  }
0x6f: {  	_ =	shalt  }
0x70: {  	_ =	shalt  }
0x71: {  	_ =	shalt  }
0x72: {  	_ =	shalt  }
0x73: {  	_ =	shalt  }
0x74: {  	_ =	shalt  }
0x75: {  	_ =	shalt  }
0x76: {  	_ =	shalt  }
0x77: {  	_ =	shalt  }
0x78: {  	_ =	shalt  }
0x79: {  	_ =	shalt  }
0x7a: {  	_ =	shalt  }
0x7b: {  	_ =	shalt  }
0x7c: {  	_ =	shalt  }
0x7d: {  	_ =	shalt  }
0x7e: {  	_ =	shalt  }
0x7f: {  	_ =	shalt  }
0x80: {  	_ =	shalt  }
0x81: {  	_ =	shalt  }
0x82: {  	_ =	shalt  }
0x83: {  	_ =	shalt  }
0x84: {  	_ =	shalt  }
0x85: {  	_ =	shalt  }
0x86: {  	_ =	shalt  }
0x87: {  	_ =	shalt  }
.Lfunc_end0:
.L_simem_size_0:
called_computation_lowered:
.L_overlay_start_0:
0x88: {  	s2 =	sld [smem:$0x3FD9]  }
0x89: {  	s3 =	sld [smem:$0x3FFE];
	_ =	sdelay $0x1  }
0x8a: {  	s1 =	srdreg.scid  }
0x8b: {  	s0 =	sand.u32 $0x1, s1  }
0x8c: {  	s17 =	sshll.u32 s0, $0xA;
	s2 =	sadd.s32 s3, s2  }
0x8d: {  	s2 =	sadd.s32 s2, s17  }
0x8e: {  	[smem:$0x3FB0] =	sst s2  }
0x8f: {  	_ = 	snop  }
0x90: {  	s2 =	sld [smem:$0x3FD0];
	(tm) =	ssettm $0x1  }
0x91: {  	s18 =	sld [smem:$0x3FFB];
	_ =	sdelay $0x3  }
0x92: {  	_ =	strace s18  }
0x93: {  	s3 =	sld [smem:$0x3FFC];
	_ =	sdelay $0x3  }
0x94: {  	_ =	strace s3  }
0x95: {  	s3 =	sld [smem:$0x3FFD];
	_ =	sdelay $0x3  }
0x96: {  	_ =	strace s3  }
0x97: {  	_ =	strace $0x8FFFFFFF  }
0x98: {  	s19 =	sld [smem:$0x3FDB];
	_ =	sdelay $0x1  }
0x99: {  	s4 =	simm.s32 $_scs_section_size  }
0x9a: {  	s5 =	simm.s32 $_size__tile_overlayer_lowered;
	s6 =	simm.s32 $_tile_overlayer_lowered  }
0x9b: {  	s22 =	simm.s32 $0x1BFF;
	s21 =	sshll.u32 s6, $0x1;
	s3 =	sadd.s32 s4, s19  }
0x9c: {  	s7 =	simm.s32 $0x0;
	s20 =	sshll.u32 s5, $0x1;
	s5 =	sadd.s32 s21, s3  }
0x9d: {  	[timem:s7], [sflag:s22] =	dma.local [hbm:s5], s20  }
0x9e: {  	_ =	swait.ge [sflag:s22], s20  }
0x9f: {  	s4 =	ssub.s32 $0x0, s20;
	[sflag:s22] =	ssyncset.done $0x0  }
0xa0: {  	[sflag:s22] =	ssyncadd.s32 s4;
	_ =	sdelay $0x1  }
0xa1: {  	s23 =	simm.s32 $0x1B8B  }
0xa2: {  	_ =	swait.ge [sflag:s23], $0x1  }
0xa3: {  	[sflag:s23] =	ssyncset.done $0x0  }
0xa4: {  	s25 =	simm.s32 $0x1B8E;
	s24 =	sld [smem:$0x3FFE];
	[sflag:s23] =	ssyncadd.s32 $0xFFFFFFFF  }
0xa5: {  	s26 =	simm.s32 $execute0_lowered;
	[smem:$0x3FD2] =	sst s25  }
0xa6: {  	s5 =	sshll.u32 s26, $0x1;
	_ =	strace $0x80000046;
	[dreg:$0x1] =	wrdreg $0xFFFFFFFF  }
0xa7: {  	s28 =	simm.s32 $_size_execute0_lowered;
	s3 =	sadd.s32 s3, s5;
	[dreg:$0x0] =	wrdreg $0x0  }
0xa8: {  	s5 =	sshll.u32 s28, $0x1;
	[dreg:$0x2] =	wrdreg s3  }
0xa9: {  	[dreg:$0x3] =	wrdreg s5  }
0xaa: {  	[dreg:$0x4] =	wrdreg $0xC0  }
0xab: {  	_ =	task [dreg:s7], $0x5FFFF  }
0xac: {  	[dreg:$0x1] =	wrdreg $0xFFFFFFFF  }
0xad: {  	[dreg:$0x0] =	wrdreg $0x60  }
0xae: {  	[dreg:$0x2] =	wrdreg s2  }
0xaf: {  	[dreg:$0x3] =	wrdreg s24  }
0xb0: {  	[dreg:$0x4] =	wrdreg $0x9  }
0xb1: {  	_ =	task.clear_ibuf [dreg:s7], $0x5FFFF;
	_ =	strace $0x90000046  }
0xb2: {  	s29 =	simm.s32 $0x9;
	_ =	strace $0x80000048  }
0xb3: {  	_ =	swait.ge [sflag:s29], $0x1  }
0xb4: {  	[sflag:s29] =	ssyncadd.s32 $0xFFFFFFFF  }
0xb5: {  	_ =	strace $0x90000048  }
0xb6: {  	_ =	sfence  }
0xb7: {  	s30 =	sld [smem:$0x0];
	_ =	sdelay $0x2  }
0xb8: {  	s31 =	sshll.u32 s1, $0xD;
	s1 =	sshrl.u32 s1, $0x2  }
0xb9: {  	s3 =	sand.u32 $0x4000, s31;
	s1 =	sadd.s32 s1, s30  }
0xba: {  	s0 =	sor.u32 s3, s0;
	s1 =	sshll.u32 s1, $0x11  }
0xbb: {  	s0 =	sor.u32 s1, s0  }
0xbc: {  	s0 =	sadd.s32 $0x8F2B, s0  }
0xbd: {  	[sflag:s0] =	ssyncadd.remote.s32 $0x1  }
0xbe: {  	_ =	sfence.sel $0xFFFF  }
0xbf: {  	[dreg:$0x0] =	wrdreg $0xFFFFFFFF;
	(pc) =	sbr.abs _section_cstart, $3  }
0xc0: {  	[dreg:$0x1] =	wrdreg $0xFFFFFFFF  }
0xc1: {  	_ =	task.clear_ibuf [dreg:s7], $0x2FFFF;
	_ =	strace $0x9FFFFFFF  }
0xc2: {  	(tm) =	ssettm $0x7FFFFFFF  }
0xc3: {  	_ =	shalt  }
tec
execute0_lowered:
.L_overlay_start_1:
0x0: {  	(tag) =	ssettag $0x1  }
0x1: {  	s1 =	srdreg.scid  }
0x2: {  	s2 =	rddreg [dreg:$0x0];
	s0 =	stileid.u32;
	s20 =	sand.u32 $0x1, s1  }
0x3: {  	s9 =	rddreg [dreg:$0x1];
	s4 =	sshll.u32 s0, $0xB;
	s5 =	sshll.u32 s20, $0xA  }
0x4: {  	s3 =	simm.s32 $0x0;
	s1 =	rddreg [dreg:$0x2];
	s19 =	sor.u32 s5, s4  }
0x5: {  	[smem:$0x7FF] =	sst s3;
	s21 =	sadd.s32 $0x4000, s9;
	s4 =	sshrl.u32 s19, $0x3  }
0x6: {  	_ =	strace $0x80000047;
	s5 =	simm.s32 $0x1;
	s4 =	sadd.s32 s21, s4  }
0x7: {  	[tilespmem:s3], [sflag:$0x1] =	stream.linear.gather [hbm4b:s4+s3], $0x100, $0x38;
	[tilespmem:$0x10200] =	vst v63  }
0x8: {  	_ =	swait.ge [sflag:s5], $0x100  }
0x9: {  	s6 =	simm.s32 $0x100;
	[sflag:s5] =	ssyncset.done $0x0  }
0xa: {  	s7 =	simm.s32 $0x200;
	s8 =	simm.s32 $0x3;
	[sflag:s5] =	ssyncadd.s32 $0xFFFFFF00  }
0xb: {  	[tilespmem:s7], [sflag:$0x3] =	stream.indirect.gather [hbm4b:s2+s6], $0x80, s3, s6, $0xb8;
	[tilespmem:$0x10200] =	vst v63  }
0xc: {  	s22 =	sadd.s32 $0x5000, s9;
	_ =	swait.ge [sflag:s8], $0x8000  }
0xd: {  	s14 =	sor.u32 $0x100, s19;
	s28 =	sshll.u32 s19, $0x4;
	[sflag:s8] =	ssyncset.done $0x0  }
0xe: {  	s9 =	sadd.s32 s22, s28;
	s10 =	sshrl.u32 s14, $0x3;
	[sflag:s8] =	ssyncadd.s32 $0xFFFF8000  }
0xf: {  	[hbm4b:s9+s3] =	stream.linear.scatter [tilespmem:s7], [sflag:$0x5], $0x8000, $0x38;
	[tilespmem:$0x10200] =	vst v63  }
0x10: {  	s11 =	simm.s32 $0x2;
	s10 =	sadd.s32 s21, s10  }
0x11: {  	[tilespmem:s6], [sflag:$0x2] =	stream.linear.gather [hbm4b:s10+s3], $0x100, $0x38;
	[tilespmem:$0x10200] =	vst v63  }
0x12: {  	_ =	swait.ge [sflag:s11], $0x100  }
0x13: {  	[sflag:s11] =	ssyncset.done $0x0  }
0x14: {  	s12 =	simm.s32 $0x8200;
	s13 =	simm.s32 $0x4;
	[sflag:s11] =	ssyncadd.s32 $0xFFFFFF00  }
0x15: {  	[tilespmem:s12], [sflag:$0x4] =	stream.indirect.gather [hbm4b:s2+s6], $0x80, s6, s6, $0xb8;
	[tilespmem:$0x10200] =	vst v63  }
0x16: {  	_ =	swait.ge [sflag:s13], $0x8000  }
0x17: {  	s14 =	sshll.u32 s14, $0x4;
	[sflag:s13] =	ssyncset.done $0x0  }
0x18: {  	s15 =	simm.s32 $0x5;
	s14 =	sadd.s32 s22, s14;
	[sflag:s13] =	ssyncadd.s32 $0xFFFF8000  }
0x19: {  	[hbm4b:s14+s3] =	stream.linear.scatter [tilespmem:s12], [sflag:$0x6], $0x8000, $0x38;
	[tilespmem:$0x10200] =	vst v63  }
0x1a: {  	s17 =	sor.u32 $0x200, s19;
	_ =	swait.ge [sflag:s15], $0x8000  }
0x1b: {  	s16 =	sshrl.u32 s17, $0x3;
	[sflag:s15] =	ssyncset.done $0x0  }
0x1c: {  	s16 =	sadd.s32 s21, s16;
	[sflag:s15] =	ssyncadd.s32 $0xFFFF8000  }
0x1d: {  	[tilespmem:s3], [sflag:$0x1] =	stream.linear.gather [hbm4b:s16+s3], $0x100, $0x38;
	[tilespmem:$0x10200] =	vst v63  }
0x1e: {  	_ =	swait.ge [sflag:s5], $0x100  }
0x1f: {  	[sflag:s5] =	ssyncset.done $0x0  }
0x20: {  	[sflag:s5] =	ssyncadd.s32 $0xFFFFFF00  }
0x21: {  	[tilespmem:s7], [sflag:$0x3] =	stream.indirect.gather [hbm4b:s2+s6], $0x80, s3, s6, $0xb8;
	[tilespmem:$0x10200] =	vst v63  }
0x22: {  	_ =	swait.ge [sflag:s8], $0x8000  }
0x23: {  	s17 =	sshll.u32 s17, $0x4;
	[sflag:s8] =	ssyncset.done $0x0  }
0x24: {  	s18 =	sadd.s32 s22, s17;
	s17 =	simm.s32 $0x6;
	[sflag:s8] =	ssyncadd.s32 $0xFFFF8000  }
0x25: {  	[hbm4b:s18+s3] =	stream.linear.scatter [tilespmem:s7], [sflag:$0x5], $0x8000, $0x38;
	[tilespmem:$0x10200] =	vst v63  }
0x26: {  	s23 =	sor.u32 $0x300, s19;
	_ =	swait.ge [sflag:s17], $0x8000  }
0x27: {  	s19 =	sshrl.u32 s23, $0x3;
	[sflag:s17] =	ssyncset.done $0x0  }
0x28: {  	s19 =	sadd.s32 s21, s19;
	[sflag:s17] =	ssyncadd.s32 $0xFFFF8000  }
0x29: {  	[tilespmem:s6], [sflag:$0x2] =	stream.linear.gather [hbm4b:s19+s3], $0x100, $0x38;
	[tilespmem:$0x10200] =	vst v63  }
0x2a: {  	_ =	swait.ge [sflag:s11], $0x100  }
0x2b: {  	s30 =	ssub.s32 $0x2, s20;
	[sflag:s11] =	ssyncset.done $0x0  }
0x2c: {  	s31 =	sshrl.u32 s30, $0x1;
	[sflag:s11] =	ssyncadd.s32 $0xFFFFFF00  }
0x2d: {  	[tilespmem:s12], [sflag:$0x4] =	stream.indirect.gather [hbm4b:s2+s6], $0x80, s6, s6, $0xb8;
	[tilespmem:$0x10200] =	vst v63  }
0x2e: {  	s21 =	ssub.s32 s30, s31;
	_ =	swait.ge [sflag:s13], $0x8000  }
0x2f: {  	s29 =	sshll.u32 s23, $0x4;
	s21 =	smax.u32 s21, $0x1;
	[sflag:s13] =	ssyncset.done $0x0  }
0x30: {  	s20 =	sadd.s32 s22, s29;
	p0 =	sne.s32 s21, $0x1;
	[sflag:s13] =	ssyncadd.s32 $0xFFFF8000  }
0x31: {  	[hbm4b:s20+s3] =	stream.linear.scatter [tilespmem:s12], [sflag:$0x6], $0x8000, $0x38;
	[tilespmem:$0x10200] =	vst v63  }
.Ltmp0:
0x32: {  	_ =	swait.ge [sflag:s15], $0x8000;
	(pc) =	sbr.rel @!p0 .LBB2_2-.Ltmp0, $4  }
0x33: {  	[sflag:s15] =	ssyncset.done $0x0  }
0x34: {  	[sflag:s15] =	ssyncadd.s32 $0xFFFF8000  }
0x35: {  	_ =	swait.ge [sflag:s17], $0x8000  }
0x36: {  	s21 =	sadd.s32 $0xFFFFFFFF, s21;
	[sflag:s17] =	ssyncset.done $0x0  }
.LBB2_1:
0x37: {  	p0 =	sne.s32 s21, $0x1;
	s21 =	sadd.s32 $0xFFFFFFFF, s21;
	[sflag:s17] =	ssyncadd.s32 $0xFFFF8000  }
0x38: {  	[tilespmem:s3], [sflag:$0x1] =	stream.linear.gather [hbm4b:s4+s3], $0x100, $0x38;
	[tilespmem:$0x10200] =	vst v63  }
0x39: {  	_ =	swait.ge [sflag:s5], $0x100  }
0x3a: {  	[sflag:s5] =	ssyncset.done $0x0  }
0x3b: {  	[sflag:s5] =	ssyncadd.s32 $0xFFFFFF00  }
0x3c: {  	[tilespmem:s7], [sflag:$0x3] =	stream.indirect.gather [hbm4b:s2+s6], $0x80, s3, s6, $0xb8;
	[tilespmem:$0x10200] =	vst v63  }
0x3d: {  	_ =	swait.ge [sflag:s8], $0x8000  }
0x3e: {  	[sflag:s8] =	ssyncset.done $0x0  }
0x3f: {  	[sflag:s8] =	ssyncadd.s32 $0xFFFF8000  }
0x40: {  	[hbm4b:s9+s3] =	stream.linear.scatter [tilespmem:s7], [sflag:$0x5], $0x8000, $0x38;
	[tilespmem:$0x10200] =	vst v63  }
0x41: {  	_ = 	snop  }
0x42: {  	[tilespmem:s6], [sflag:$0x2] =	stream.linear.gather [hbm4b:s10+s3], $0x100, $0x38;
	[tilespmem:$0x10200] =	vst v63  }
0x43: {  	_ =	swait.ge [sflag:s11], $0x100  }
0x44: {  	[sflag:s11] =	ssyncset.done $0x0  }
0x45: {  	[sflag:s11] =	ssyncadd.s32 $0xFFFFFF00  }
0x46: {  	[tilespmem:s12], [sflag:$0x4] =	stream.indirect.gather [hbm4b:s2+s6], $0x80, s6, s6, $0xb8;
	[tilespmem:$0x10200] =	vst v63  }
0x47: {  	_ =	swait.ge [sflag:s13], $0x8000  }
0x48: {  	[sflag:s13] =	ssyncset.done $0x0  }
0x49: {  	[sflag:s13] =	ssyncadd.s32 $0xFFFF8000  }
0x4a: {  	[hbm4b:s14+s3] =	stream.linear.scatter [tilespmem:s12], [sflag:$0x6], $0x8000, $0x38;
	[tilespmem:$0x10200] =	vst v63  }
0x4b: {  	_ =	swait.ge [sflag:s15], $0x8000  }
0x4c: {  	[sflag:s15] =	ssyncset.done $0x0  }
0x4d: {  	[sflag:s15] =	ssyncadd.s32 $0xFFFF8000  }
0x4e: {  	[tilespmem:s3], [sflag:$0x1] =	stream.linear.gather [hbm4b:s16+s3], $0x100, $0x38;
	[tilespmem:$0x10200] =	vst v63  }
0x4f: {  	_ =	swait.ge [sflag:s5], $0x100  }
0x50: {  	[sflag:s5] =	ssyncset.done $0x0  }
0x51: {  	[sflag:s5] =	ssyncadd.s32 $0xFFFFFF00  }
0x52: {  	[tilespmem:s7], [sflag:$0x3] =	stream.indirect.gather [hbm4b:s2+s6], $0x80, s3, s6, $0xb8;
	[tilespmem:$0x10200] =	vst v63  }
0x53: {  	_ =	swait.ge [sflag:s8], $0x8000  }
0x54: {  	[sflag:s8] =	ssyncset.done $0x0  }
0x55: {  	[sflag:s8] =	ssyncadd.s32 $0xFFFF8000  }
0x56: {  	[hbm4b:s18+s3] =	stream.linear.scatter [tilespmem:s7], [sflag:$0x5], $0x8000, $0x38;
	[tilespmem:$0x10200] =	vst v63  }
0x57: {  	_ =	swait.ge [sflag:s17], $0x8000  }
0x58: {  	[sflag:s17] =	ssyncset.done $0x0  }
0x59: {  	[sflag:s17] =	ssyncadd.s32 $0xFFFF8000  }
0x5a: {  	[tilespmem:s6], [sflag:$0x2] =	stream.linear.gather [hbm4b:s19+s3], $0x100, $0x38;
	[tilespmem:$0x10200] =	vst v63  }
0x5b: {  	_ =	swait.ge [sflag:s11], $0x100  }
0x5c: {  	[sflag:s11] =	ssyncset.done $0x0  }
0x5d: {  	[sflag:s11] =	ssyncadd.s32 $0xFFFFFF00  }
0x5e: {  	[tilespmem:s12], [sflag:$0x4] =	stream.indirect.gather [hbm4b:s2+s6], $0x80, s6, s6, $0xb8;
	[tilespmem:$0x10200] =	vst v63  }
0x5f: {  	_ =	swait.ge [sflag:s13], $0x8000  }
0x60: {  	[sflag:s13] =	ssyncset.done $0x0  }
0x61: {  	[sflag:s13] =	ssyncadd.s32 $0xFFFF8000  }
0x62: {  	[hbm4b:s20+s3] =	stream.linear.scatter [tilespmem:s12], [sflag:$0x6], $0x8000, $0x38;
	[tilespmem:$0x10200] =	vst v63  }
.Ltmp1:
0x63: {  	_ =	swait.ge [sflag:s15], $0x8000;
	(pc) =	sbr.rel @p0 .LBB2_1-.Ltmp1, $4  }
0x64: {  	[sflag:s15] =	ssyncset.done $0x0  }
0x65: {  	[sflag:s15] =	ssyncadd.s32 $0xFFFF8000  }
0x66: {  	_ =	swait.ge [sflag:s17], $0x8000  }
0x67: {  	[sflag:s17] =	ssyncset.done $0x0  }
.LBB2_2:
0x68: {  	[sflag:s17] =	ssyncadd.s32 $0xFFFF8000  }
0x69: {  	_ =	sfence.sel $0x180000  }
0x6a: {  	[bflag:$0x0] =	sbarrier.arrive $0xFFFF  }
0x6b: {  	p0 =	sne.s32 s0, $0x0;
	_ =	strace $0x90000047  }
0x6c: {  	s0 =	sadd.s32 @!p0 $0x100000, s1;
	[bflag:$0x2] =	sbarrier.arrive $0xFFFF  }
0x6d: {  	[sflag:s0] =	ssyncadd.tile.s32 @!p0 $0x1;
	_ =	shalt  }
.Lfunc_end2:
_tile_overlayer_lowered:
.L_overlay_start_2:
0x6e: {  	(tag) =	ssettag $0x2  }
0x6f: {  	s0 =	rddreg [dreg:$0x0];
	s2 =	stileid.u32  }
0x70: {  	s1 =	rddreg [dreg:$0x1];
	p0 =	sne.s32 s2, $0x0  }
0x71: {  	s3 =	rddreg [dreg:$0x2];
	[bflag:$0x3] =	sbarrier.arrive $0xFFFF;
	s2 =	simm.s32 @!p0 $0x1C07  }
0x72: {  	[timem:s3], [sflag:s2] =	dma.local @!p0 [hbm:s0], s1  }
0x73: {  	s0 =	simm.s32 @!p0 $0x7  }
0x74: {  	_ =	swait.ge @!p0 [sflag:s0], s1  }
0x75: {  	s1 =	ssub.s32 @!p0 $0x0, s1;
	[sflag:s0] =	ssyncset.done @!p0 $0x0  }
0x76: {  	[sflag:s0] =	ssyncadd.s32 @!p0 s1  }
0x77: {  	[bflag:$0x3] =	sbarrier.arrive $0xFFFF  }
0x78: {  	_ =	shalt  }

</sc_bundles>
